<compile_context>
chip_gen: v7x
topology: tpu7x:2x2x1
jax: 0.10.2.dev20260603
libtpu: 0.0.44.dev20260713+nightly
codegen_flags: <defaults>
</compile_context>

<pallas_src>
import functools

import jax
import jax.numpy as jnp
import numpy as np
from jax import lax
from jax.experimental import pallas as pl
from jax.experimental.pallas import tpu as pltpu
from jax.experimental.pallas import tpu_sc as plsc

_PAD_IDX = 0
_ALPHA = 0.1
_NC = 2
_NS = 16
_LANES = 16


def _sc_body(x_hbm, t_hbm, m_hbm, out_hbm, xbuf, tbuf, mbuf, obuf, *,
             smooth, V, T, tpw):
    w = lax.axis_index("s") * _NC + lax.axis_index("c")
    base = w * tpw
    pltpu.sync_copy(x_hbm.at[pl.ds(base * V, tpw * V)], xbuf)
    pltpu.sync_copy(t_hbm.at[pl.ds(base, tpw)], tbuf)
    pltpu.sync_copy(m_hbm, mbuf)

    chunks_per_seq = T // _LANES

    def chunk(c, carry):
        iota = lax.iota(jnp.int32, _LANES)
        tl = c * _LANES + iota
        t = tbuf[pl.ds(c * _LANES, _LANES)]
        tm1 = plsc.load_gather(tbuf, [jnp.maximum(tl - 1, 0)])
        at_seq_start = jnp.logical_and(iota == 0, (c % chunks_per_seq) == 0)
        prev = jnp.where(at_seq_start, 0, tm1)
        pc10 = (prev * V + t) * V
        b10 = tl * V

        xs = []
        mdotx = jnp.zeros((_LANES,), jnp.float32)
        summ = jnp.zeros((_LANES,), jnp.float32)
        for v in range(V):
            xv = plsc.load_gather(xbuf, [b10 + v])
            mv = plsc.load_gather(mbuf, [pc10 + v])
            xs.append(xv)
            mdotx = mdotx + mv * xv
            summ = summ + mv
        xmax = xs[0]
        for v in range(1, V):
            xmax = jnp.maximum(xmax, xs[v])
        se = jnp.zeros((_LANES,), jnp.float32)
        for v in range(V):
            se = se + jnp.exp(xs[v] - xmax)

        m_c = plsc.load_gather(mbuf, [pc10 + t])
        x_c = plsc.load_gather(xbuf, [b10 + t])
        pad = t == _PAD_IDX
        a = x_c * (smooth * (summ + m_c) - 1.0) - smooth * mdotx
        a = jnp.where(pad, 0.0, a)
        b = jnp.where(pad, 0.0, 1.0 - smooth * m_c)
        padf = jnp.where(pad, 1.0, 0.0)

        sl = pl.ds(c * _LANES, _LANES)
        obuf[0, sl] = se
        obuf[1, sl] = xmax
        obuf[2, sl] = a
        obuf[3, sl] = b
        obuf[4, sl] = padf
        return carry

    lax.fori_loop(0, tpw // _LANES, chunk, 0)
    pltpu.sync_copy(obuf, out_hbm.at[:, w])


def _tc_body(s_ref, out_ref, num_ref, den_ref, *, nblk):
    i = pl.program_id(0)
    se = s_ref[0]
    xm = s_ref[1]
    a = s_ref[2]
    b = s_ref[3]
    padf = s_ref[4]
    lse = jnp.log(se) + xm
    blk_num = jnp.sum(a + b * lse)
    blk_den = jnp.sum(padf)

    @pl.when(i == 0)
    def _init():
        num_ref[0] = 0.0
        den_ref[0] = 0.0

    num_ref[0] += blk_num
    den_ref[0] += blk_den

    @pl.when(i == nblk - 1)
    def _fin():
        out_ref[0, 0] = num_ref[0] / den_ref[0]


def kernel(input, target, _, labels, matric):
    B, T, V = input.shape
    N = B * T
    NW = _NC * _NS
    TPW = N // NW

    length = np.float32(labels.shape[1] + 1.0)
    smooth = float(np.float32(1.0) - np.power(np.float32(1.0 - _ALPHA),
                                              np.float32(1.0) / length))

    xf = input.reshape(N * V)
    tf = target.reshape(N)
    m2 = matric[:-1, :-1, :-1].reshape(V * V * V)
    m2p = jnp.concatenate([m2, jnp.zeros((1024 - V * V * V,), jnp.float32)])

    mesh = plsc.VectorSubcoreMesh(core_axis_name="c", subcore_axis_name="s")
    stats = pl.kernel(
        functools.partial(_sc_body, smooth=smooth, V=V, T=T, tpw=TPW),
        out_type=jax.ShapeDtypeStruct((5, NW, TPW), jnp.float32),
        mesh=mesh,
        compiler_params=pltpu.CompilerParams(needs_layout_passes=False),
        scratch_types=[
            pltpu.VMEM((TPW * V,), jnp.float32),
            pltpu.VMEM((TPW,), jnp.int32),
            pltpu.VMEM((1024,), jnp.float32),
            pltpu.VMEM((5, TPW), jnp.float32),
        ],
    )(xf, tf, m2p)

    RB = 8
    nblk = NW // RB
    out = pl.pallas_call(
        functools.partial(_tc_body, nblk=nblk),
        grid=(nblk,),
        in_specs=[pl.BlockSpec((5, RB, TPW), lambda i: (0, i, 0))],
        out_specs=pl.BlockSpec(memory_space=pltpu.SMEM),
        out_shape=jax.ShapeDtypeStruct((1, 1), jnp.float32),
        scratch_shapes=[
            pltpu.SMEM((1,), jnp.float32),
            pltpu.SMEM((1,), jnp.float32),
        ],
    )(stats)
    return out[0, 0]

# --- scband reference (transcript-rebuilt; emitter-appended) ---
"""Pipeline reference for scband-pair-wise-weight-smooth-loss-2113123910204 (READ-ONLY COPY).

The authoritative reference and input builder live on the scoring server;
editing this copy changes nothing except your own understanding.
"""

import jax, jax.numpy as jnp
import numpy as np

PAD_IDX = 0
ALPHA = 0.1

def setup_inputs(seed: int = 0):
    key = jax.random.key(seed)
    k1, k2, k3 = jax.random.split(key, 3)
    inputs = {}
    inputs["input"] = jax.random.normal(k1, (256, 512, 10), dtype=jnp.float32)
    inputs["target"] = jax.random.randint(k2, (256, 512), 0, 10, dtype=jnp.int32)
    inputs["_"] = jnp.zeros((256,), dtype=jnp.float32)
    inputs["labels"] = jax.random.randint(k3, (256, 400), 0, 10, dtype=jnp.int32)
    inputs["matric"] = jnp.zeros((11, 11, 11), dtype=jnp.float32)
    return inputs

def reference(input, target, _, labels, matric):
    # matric is the learned/static confusion tensor; module slices off last index
    matric_s = matric[:-1, :-1, :-1]
    B, T, V = input.shape
    # length = len of each label sequence + 1 (labels is a padded [B, L] batch -> len == L)
    length = jnp.full((B,), float(labels.shape[1]) + 1.0, dtype=jnp.float32)
    # forth_target: shifted-right targets (previous token), zero at position 0
    forth_target = jnp.concatenate([jnp.zeros((B, 1), dtype=target.dtype), target[:, :-1]], axis=1).reshape(-1)
    tgt = target.reshape(-1)
    ignore = tgt == PAD_IDX
    total = ignore.sum().astype(jnp.float32)
    log_prob = jax.nn.log_softmax(input.reshape(-1, V), axis=-1)
    smoothing = 1.0 - jnp.power(1.0 - ALPHA, 1.0 / length)
    smoothing = jnp.repeat(smoothing[:, None], T, axis=1).reshape(-1)
    # gather pairwise smoothing weights: matric[prev_token, cur_token, :]
    weight = smoothing[:, None] * matric_s[forth_target, tgt, :]
    src = 1.0 - weight.sum(axis=1)
    # scatter the residual mass onto the target class (one column per row)
    weight = weight.at[jnp.arange(weight.shape[0]), tgt].set(src)
    # masked_fill + sum / denom (normalize_length=True -> denom = count of padding tokens, faithful to original)
    loss = jnp.where(ignore[:, None], 0.0, -weight * log_prob).sum() / total
    return loss

if __name__ == "__main__":
    import jax
    _d = setup_inputs()
    print(jax.jit(kernel)(*tuple(_d.values())))

</pallas_src>

<mosaic_0001>
#map = affine_map<(d0, d1) -> (0)>
#map1 = affine_map<(d0, d1) -> (0, 0, 0)>
module attributes {stable_mosaic.version = 14 : i64} {
  func.func @_sc_body(%arg0: i32, %arg1: i32, %arg2: memref<1310720xf32, #tpu.memory_space<hbm>>, %arg3: memref<131072xi32, #tpu.memory_space<hbm>>, %arg4: memref<1024xf32, #tpu.memory_space<hbm>>, %arg5: memref<5x32x4096xf32, #tpu.memory_space<hbm>>, %arg6: memref<40960xf32, #tpu.memory_space<vmem>>, %arg7: memref<4096xi32, #tpu.memory_space<vmem>>, %arg8: memref<1024xf32, #tpu.memory_space<vmem>>, %arg9: memref<5x4096xf32, #tpu.memory_space<vmem>>) attributes {dimension_semantics = [#tpu.dimension_semantics<core_parallel>, #tpu.dimension_semantics<subcore_parallel>], iteration_bounds = array<i64: 2, 16>, scalar_prefetch = 0 : i64, scratch_operands = 4 : i64, tpu.core_type = #tpu.core_type<sc_vector_subcore>, window_params = [{transform_indices = #map}, {transform_indices = #map}, {transform_indices = #map}, {transform_indices = #map1}]} {
    %mul3A = arith.constant 2 : i32
    %mul3A_0 = arith.muli %arg1, %mul3A : i32
    %add3A = arith.addi %mul3A_0, %arg0 : i32
    %mul3A_1 = arith.constant 4096 : i32
    %mul3A_2 = arith.muli %add3A, %mul3A_1 : i32
    %mul3A_3 = arith.constant 10 : i32
    %mul3A_4 = arith.muli %mul3A_2, %mul3A_3 : i32
    "tpu.region"() ({
      %run_scoped3A = tpu.sem_alloc : memref<!tpu.dma_semaphore, #tpu.memory_space<semaphore_mem>>
      %dma_start3A = tpu.memref_slice %arg2[%mul3A_4] : memref<1310720xf32, #tpu.memory_space<hbm>> -> memref<40960xf32, #tpu.memory_space<hbm>>
      %dma_start3A_10 = tpu.memref_slice %arg2[%mul3A_4] : memref<1310720xf32, #tpu.memory_space<hbm>> -> memref<40960xf32, #tpu.memory_space<hbm>>
      tpu.enqueue_dma source(%dma_start3A_10 : memref<40960xf32, #tpu.memory_space<hbm>>) target(%arg6 : memref<40960xf32, #tpu.memory_space<vmem>>) target_semaphore(%run_scoped3A : memref<!tpu.dma_semaphore, #tpu.memory_space<semaphore_mem>>)
      %dma_wait3A = tpu.memref_slice %arg2[%mul3A_4] : memref<1310720xf32, #tpu.memory_space<hbm>> -> memref<40960xf32, #tpu.memory_space<hbm>>
      %dma_wait3A_11 = tpu.memref_slice %arg2[%mul3A_4] : memref<1310720xf32, #tpu.memory_space<hbm>> -> memref<40960xf32, #tpu.memory_space<hbm>>
      tpu.wait_dma2 semaphore(%run_scoped3A : memref<!tpu.dma_semaphore, #tpu.memory_space<semaphore_mem>>) src(%dma_wait3A_11 : memref<40960xf32, #tpu.memory_space<hbm>>) dst(%arg6 : memref<40960xf32, #tpu.memory_space<vmem>>)
      tpu.yield
    }) : () -> ()
    "tpu.region"() ({
      %run_scoped3A = tpu.sem_alloc : memref<!tpu.dma_semaphore, #tpu.memory_space<semaphore_mem>>
      %dma_start3A = tpu.memref_slice %arg3[%mul3A_2] : memref<131072xi32, #tpu.memory_space<hbm>> -> memref<4096xi32, #tpu.memory_space<hbm>>
      %dma_start3A_10 = tpu.memref_slice %arg3[%mul3A_2] : memref<131072xi32, #tpu.memory_space<hbm>> -> memref<4096xi32, #tpu.memory_space<hbm>>
      tpu.enqueue_dma source(%dma_start3A_10 : memref<4096xi32, #tpu.memory_space<hbm>>) target(%arg7 : memref<4096xi32, #tpu.memory_space<vmem>>) target_semaphore(%run_scoped3A : memref<!tpu.dma_semaphore, #tpu.memory_space<semaphore_mem>>)
      %dma_wait3A = tpu.memref_slice %arg3[%mul3A_2] : memref<131072xi32, #tpu.memory_space<hbm>> -> memref<4096xi32, #tpu.memory_space<hbm>>
      %dma_wait3A_11 = tpu.memref_slice %arg3[%mul3A_2] : memref<131072xi32, #tpu.memory_space<hbm>> -> memref<4096xi32, #tpu.memory_space<hbm>>
      tpu.wait_dma2 semaphore(%run_scoped3A : memref<!tpu.dma_semaphore, #tpu.memory_space<semaphore_mem>>) src(%dma_wait3A_11 : memref<4096xi32, #tpu.memory_space<hbm>>) dst(%arg7 : memref<4096xi32, #tpu.memory_space<vmem>>)
      tpu.yield
    }) : () -> ()
    "tpu.region"() ({
      %run_scoped3A = tpu.sem_alloc : memref<!tpu.dma_semaphore, #tpu.memory_space<semaphore_mem>>
      tpu.enqueue_dma source(%arg4 : memref<1024xf32, #tpu.memory_space<hbm>>) target(%arg8 : memref<1024xf32, #tpu.memory_space<vmem>>) target_semaphore(%run_scoped3A : memref<!tpu.dma_semaphore, #tpu.memory_space<semaphore_mem>>)
      tpu.wait_dma2 semaphore(%run_scoped3A : memref<!tpu.dma_semaphore, #tpu.memory_space<semaphore_mem>>) src(%arg4 : memref<1024xf32, #tpu.memory_space<hbm>>) dst(%arg8 : memref<1024xf32, #tpu.memory_space<vmem>>)
      tpu.yield
    }) : () -> ()
    %scan3A = arith.constant 0 : i32
    %scan3A_5 = arith.constant 0 : i32
    %scan3A_6 = arith.constant 256 : i32
    %scan3A_7 = arith.addi %scan3A_5, %scan3A_6 : i32
    %scan3A_8 = arith.constant 1 : i32
    scf.for %scan3A_10 = %scan3A_5 to %scan3A_7 step %scan3A_8  : i32 {
      %iota3A = tpu.iota {dimensions = array<i32: 0>} : vector<16xi32>
      %mul3A_11 = arith.constant 16 : i32
      %mul3A_12 = arith.muli %scan3A_10, %mul3A_11 : i32
      %add3A_13 = vector.broadcast %mul3A_12 : i32 to vector<16xi32>
      %add3A_14 = arith.addi %add3A_13, %iota3A : vector<16xi32>
      %mul3A_15 = arith.constant 16 : i32
      %mul3A_16 = arith.muli %scan3A_10, %mul3A_15 : i32
      %get3A = arith.index_cast %mul3A_16 : i32 to index
      %get3A_17 = tpu.vector_load %arg7[%get3A] {strides = array<i32>} : memref<4096xi32, #tpu.memory_space<vmem>>, vector<16xi32>,
      %sub3A = arith.constant 1 : i32
      %sub3A_18 = vector.broadcast %sub3A : i32 to vector<16xi32>
      %sub3A_19 = arith.subi %add3A_14, %sub3A_18 : vector<16xi32>
      %max3A = arith.constant 0 : i32
      %max3A_20 = vector.broadcast %max3A : i32 to vector<16xi32>
      %max3A_21 = arith.maxsi %sub3A_19, %max3A_20 : vector<16xi32>
      %gather3A = tpu.vector_load_idx %arg7[%max3A_21] : memref<4096xi32, #tpu.memory_space<vmem>>[vector<16xi32>], vector<16xi32>,
      %eq3A = arith.constant 0 : i32
      %eq3A_22 = vector.broadcast %eq3A : i32 to vector<16xi32>
      %eq3A_23 = arith.cmpi eq, %iota3A, %eq3A_22 : vector<16xi32>
      %jit3A = arith.constant 32 : i32
      %eq3A_24 = arith.constant 0 : i32
      %eq3A_25 = arith.cmpi eq, %jit3A, %eq3A_24 : i32
      %jit3A_26 = arith.constant 1 : i32
      %select_n3A = arith.select %eq3A_25, %jit3A_26, %jit3A : i32
      %rem3A = arith.remsi %scan3A_10, %select_n3A : i32
      %ne3A = arith.constant 0 : i32
      %ne3A_27 = arith.cmpi ne, %rem3A, %ne3A : i32
      %lt3A = arith.constant 0 : i32
      %lt3A_28 = arith.cmpi slt, %rem3A, %lt3A : i32
      %lt3A_29 = arith.constant 0 : i32
      %lt3A_30 = arith.cmpi slt, %select_n3A, %lt3A_29 : i32
      %ne3A_31 = arith.xori %lt3A_28, %lt3A_30 : i1
      %and3A = arith.andi %ne3A_31, %ne3A_27 : i1
      %add3A_32 = arith.addi %rem3A, %select_n3A : i32
      %select_n3A_33 = arith.select %and3A, %add3A_32, %rem3A : i32
      %eq3A_34 = arith.constant 0 : i32
      %eq3A_35 = arith.cmpi eq, %select_n3A_33, %eq3A_34 : i32
      %and3A_36 = vector.broadcast %eq3A_35 : i1 to vector<16xi1>
      %and3A_37 = arith.andi %eq3A_23, %and3A_36 : vector<16xi1>
      %jit3A_38 = arith.constant 0 : i32
      %broadcast_in_dim3A = vector.broadcast %jit3A_38 : i32 to vector<16xi32>
      %select_n3A_39 = arith.select %and3A_37, %broadcast_in_dim3A, %gather3A : vector<16xi1>, vector<16xi32>
      %mul3A_40 = arith.constant 10 : i32
      %mul3A_41 = vector.broadcast %mul3A_40 : i32 to vector<16xi32>
      %mul3A_42 = arith.muli %select_n3A_39, %mul3A_41 : vector<16xi32>
      %add3A_43 = arith.addi %mul3A_42, %get3A_17 : vector<16xi32>
      %mul3A_44 = arith.constant 10 : i32
      %mul3A_45 = vector.broadcast %mul3A_44 : i32 to vector<16xi32>
      %mul3A_46 = arith.muli %add3A_43, %mul3A_45 : vector<16xi32>
      %mul3A_47 = arith.constant 10 : i32
      %mul3A_48 = vector.broadcast %mul3A_47 : i32 to vector<16xi32>
      %mul3A_49 = arith.muli %add3A_14, %mul3A_48 : vector<16xi32>
      %broadcast_in_dim3A_50 = arith.constant 0.000000e+00 : f32
      %broadcast_in_dim3A_51 = vector.broadcast %broadcast_in_dim3A_50 : f32 to vector<16xf32>
      %broadcast_in_dim3A_52 = arith.constant 0.000000e+00 : f32
      %broadcast_in_dim3A_53 = vector.broadcast %broadcast_in_dim3A_52 : f32 to vector<16xf32>
      %add3A_54 = arith.constant 0 : i32
      %add3A_55 = vector.broadcast %add3A_54 : i32 to vector<16xi32>
      %add3A_56 = arith.addi %mul3A_49, %add3A_55 : vector<16xi32>
      %gather3A_57 = tpu.vector_load_idx %arg6[%add3A_56] : memref<40960xf32, #tpu.memory_space<vmem>>[vector<16xi32>], vector<16xf32>,
      %add3A_58 = arith.constant 0 : i32
      %add3A_59 = vector.broadcast %add3A_58 : i32 to vector<16xi32>
      %add3A_60 = arith.addi %mul3A_46, %add3A_59 : vector<16xi32>
      %gather3A_61 = tpu.vector_load_idx %arg8[%add3A_60] : memref<1024xf32, #tpu.memory_space<vmem>>[vector<16xi32>], vector<16xf32>,
      %mul3A_62 = arith.mulf %gather3A_61, %gather3A_57 : vector<16xf32>
      %add3A_63 = arith.addf %broadcast_in_dim3A_51, %mul3A_62 : vector<16xf32>
      %add3A_64 = arith.addf %broadcast_in_dim3A_53, %gather3A_61 : vector<16xf32>
      %add3A_65 = arith.constant 1 : i32
      %add3A_66 = vector.broadcast %add3A_65 : i32 to vector<16xi32>
      %add3A_67 = arith.addi %mul3A_49, %add3A_66 : vector<16xi32>
      %gather3A_68 = tpu.vector_load_idx %arg6[%add3A_67] : memref<40960xf32, #tpu.memory_space<vmem>>[vector<16xi32>], vector<16xf32>,
      %add3A_69 = arith.constant 1 : i32
      %add3A_70 = vector.broadcast %add3A_69 : i32 to vector<16xi32>
      %add3A_71 = arith.addi %mul3A_46, %add3A_70 : vector<16xi32>
      %gather3A_72 = tpu.vector_load_idx %arg8[%add3A_71] : memref<1024xf32, #tpu.memory_space<vmem>>[vector<16xi32>], vector<16xf32>,
      %mul3A_73 = arith.mulf %gather3A_72, %gather3A_68 : vector<16xf32>
      %add3A_74 = arith.addf %add3A_63, %mul3A_73 : vector<16xf32>
      %add3A_75 = arith.addf %add3A_64, %gather3A_72 : vector<16xf32>
      %add3A_76 = arith.constant 2 : i32
      %add3A_77 = vector.broadcast %add3A_76 : i32 to vector<16xi32>
      %add3A_78 = arith.addi %mul3A_49, %add3A_77 : vector<16xi32>
      %gather3A_79 = tpu.vector_load_idx %arg6[%add3A_78] : memref<40960xf32, #tpu.memory_space<vmem>>[vector<16xi32>], vector<16xf32>,
      %add3A_80 = arith.constant 2 : i32
      %add3A_81 = vector.broadcast %add3A_80 : i32 to vector<16xi32>
      %add3A_82 = arith.addi %mul3A_46, %add3A_81 : vector<16xi32>
      %gather3A_83 = tpu.vector_load_idx %arg8[%add3A_82] : memref<1024xf32, #tpu.memory_space<vmem>>[vector<16xi32>], vector<16xf32>,
      %mul3A_84 = arith.mulf %gather3A_83, %gather3A_79 : vector<16xf32>
      %add3A_85 = arith.addf %add3A_74, %mul3A_84 : vector<16xf32>
      %add3A_86 = arith.addf %add3A_75, %gather3A_83 : vector<16xf32>
      %add3A_87 = arith.constant 3 : i32
      %add3A_88 = vector.broadcast %add3A_87 : i32 to vector<16xi32>
      %add3A_89 = arith.addi %mul3A_49, %add3A_88 : vector<16xi32>
      %gather3A_90 = tpu.vector_load_idx %arg6[%add3A_89] : memref<40960xf32, #tpu.memory_space<vmem>>[vector<16xi32>], vector<16xf32>,
      %add3A_91 = arith.constant 3 : i32
      %add3A_92 = vector.broadcast %add3A_91 : i32 to vector<16xi32>
      %add3A_93 = arith.addi %mul3A_46, %add3A_92 : vector<16xi32>
      %gather3A_94 = tpu.vector_load_idx %arg8[%add3A_93] : memref<1024xf32, #tpu.memory_space<vmem>>[vector<16xi32>], vector<16xf32>,
      %mul3A_95 = arith.mulf %gather3A_94, %gather3A_90 : vector<16xf32>
      %add3A_96 = arith.addf %add3A_85, %mul3A_95 : vector<16xf32>
      %add3A_97 = arith.addf %add3A_86, %gather3A_94 : vector<16xf32>
      %add3A_98 = arith.constant 4 : i32
      %add3A_99 = vector.broadcast %add3A_98 : i32 to vector<16xi32>
      %add3A_100 = arith.addi %mul3A_49, %add3A_99 : vector<16xi32>
      %gather3A_101 = tpu.vector_load_idx %arg6[%add3A_100] : memref<40960xf32, #tpu.memory_space<vmem>>[vector<16xi32>], vector<16xf32>,
      %add3A_102 = arith.constant 4 : i32
      %add3A_103 = vector.broadcast %add3A_102 : i32 to vector<16xi32>
      %add3A_104 = arith.addi %mul3A_46, %add3A_103 : vector<16xi32>
      %gather3A_105 = tpu.vector_load_idx %arg8[%add3A_104] : memref<1024xf32, #tpu.memory_space<vmem>>[vector<16xi32>], vector<16xf32>,
      %mul3A_106 = arith.mulf %gather3A_105, %gather3A_101 : vector<16xf32>
      %add3A_107 = arith.addf %add3A_96, %mul3A_106 : vector<16xf32>
      %add3A_108 = arith.addf %add3A_97, %gather3A_105 : vector<16xf32>
      %add3A_109 = arith.constant 5 : i32
      %add3A_110 = vector.broadcast %add3A_109 : i32 to vector<16xi32>
      %add3A_111 = arith.addi %mul3A_49, %add3A_110 : vector<16xi32>
      %gather3A_112 = tpu.vector_load_idx %arg6[%add3A_111] : memref<40960xf32, #tpu.memory_space<vmem>>[vector<16xi32>], vector<16xf32>,
      %add3A_113 = arith.constant 5 : i32
      %add3A_114 = vector.broadcast %add3A_113 : i32 to vector<16xi32>
      %add3A_115 = arith.addi %mul3A_46, %add3A_114 : vector<16xi32>
      %gather3A_116 = tpu.vector_load_idx %arg8[%add3A_115] : memref<1024xf32, #tpu.memory_space<vmem>>[vector<16xi32>], vector<16xf32>,
      %mul3A_117 = arith.mulf %gather3A_116, %gather3A_112 : vector<16xf32>
      %add3A_118 = arith.addf %add3A_107, %mul3A_117 : vector<16xf32>
      %add3A_119 = arith.addf %add3A_108, %gather3A_116 : vector<16xf32>
      %add3A_120 = arith.constant 6 : i32
      %add3A_121 = vector.broadcast %add3A_120 : i32 to vector<16xi32>
      %add3A_122 = arith.addi %mul3A_49, %add3A_121 : vector<16xi32>
      %gather3A_123 = tpu.vector_load_idx %arg6[%add3A_122] : memref<40960xf32, #tpu.memory_space<vmem>>[vector<16xi32>], vector<16xf32>,
      %add3A_124 = arith.constant 6 : i32
      %add3A_125 = vector.broadcast %add3A_124 : i32 to vector<16xi32>
      %add3A_126 = arith.addi %mul3A_46, %add3A_125 : vector<16xi32>
      %gather3A_127 = tpu.vector_load_idx %arg8[%add3A_126] : memref<1024xf32, #tpu.memory_space<vmem>>[vector<16xi32>], vector<16xf32>,
      %mul3A_128 = arith.mulf %gather3A_127, %gather3A_123 : vector<16xf32>
      %add3A_129 = arith.addf %add3A_118, %mul3A_128 : vector<16xf32>
      %add3A_130 = arith.addf %add3A_119, %gather3A_127 : vector<16xf32>
      %add3A_131 = arith.constant 7 : i32
      %add3A_132 = vector.broadcast %add3A_131 : i32 to vector<16xi32>
      %add3A_133 = arith.addi %mul3A_49, %add3A_132 : vector<16xi32>
      %gather3A_134 = tpu.vector_load_idx %arg6[%add3A_133] : memref<40960xf32, #tpu.memory_space<vmem>>[vector<16xi32>], vector<16xf32>,
      %add3A_135 = arith.constant 7 : i32
      %add3A_136 = vector.broadcast %add3A_135 : i32 to vector<16xi32>
      %add3A_137 = arith.addi %mul3A_46, %add3A_136 : vector<16xi32>
      %gather3A_138 = tpu.vector_load_idx %arg8[%add3A_137] : memref<1024xf32, #tpu.memory_space<vmem>>[vector<16xi32>], vector<16xf32>,
      %mul3A_139 = arith.mulf %gather3A_138, %gather3A_134 : vector<16xf32>
      %add3A_140 = arith.addf %add3A_129, %mul3A_139 : vector<16xf32>
      %add3A_141 = arith.addf %add3A_130, %gather3A_138 : vector<16xf32>
      %add3A_142 = arith.constant 8 : i32
      %add3A_143 = vector.broadcast %add3A_142 : i32 to vector<16xi32>
      %add3A_144 = arith.addi %mul3A_49, %add3A_143 : vector<16xi32>
      %gather3A_145 = tpu.vector_load_idx %arg6[%add3A_144] : memref<40960xf32, #tpu.memory_space<vmem>>[vector<16xi32>], vector<16xf32>,
      %add3A_146 = arith.constant 8 : i32
      %add3A_147 = vector.broadcast %add3A_146 : i32 to vector<16xi32>
      %add3A_148 = arith.addi %mul3A_46, %add3A_147 : vector<16xi32>
      %gather3A_149 = tpu.vector_load_idx %arg8[%add3A_148] : memref<1024xf32, #tpu.memory_space<vmem>>[vector<16xi32>], vector<16xf32>,
      %mul3A_150 = arith.mulf %gather3A_149, %gather3A_145 : vector<16xf32>
      %add3A_151 = arith.addf %add3A_140, %mul3A_150 : vector<16xf32>
      %add3A_152 = arith.addf %add3A_141, %gather3A_149 : vector<16xf32>
      %add3A_153 = arith.constant 9 : i32
      %add3A_154 = vector.broadcast %add3A_153 : i32 to vector<16xi32>
      %add3A_155 = arith.addi %mul3A_49, %add3A_154 : vector<16xi32>
      %gather3A_156 = tpu.vector_load_idx %arg6[%add3A_155] : memref<40960xf32, #tpu.memory_space<vmem>>[vector<16xi32>], vector<16xf32>,
      %add3A_157 = arith.constant 9 : i32
      %add3A_158 = vector.broadcast %add3A_157 : i32 to vector<16xi32>
      %add3A_159 = arith.addi %mul3A_46, %add3A_158 : vector<16xi32>
      %gather3A_160 = tpu.vector_load_idx %arg8[%add3A_159] : memref<1024xf32, #tpu.memory_space<vmem>>[vector<16xi32>], vector<16xf32>,
      %mul3A_161 = arith.mulf %gather3A_160, %gather3A_156 : vector<16xf32>
      %add3A_162 = arith.addf %add3A_151, %mul3A_161 : vector<16xf32>
      %add3A_163 = arith.addf %add3A_152, %gather3A_160 : vector<16xf32>
      %max3A_164 = arith.maximumf %gather3A_57, %gather3A_68 : vector<16xf32>
      %max3A_165 = arith.maximumf %max3A_164, %gather3A_79 : vector<16xf32>
      %max3A_166 = arith.maximumf %max3A_165, %gather3A_90 : vector<16xf32>
      %max3A_167 = arith.maximumf %max3A_166, %gather3A_101 : vector<16xf32>
      %max3A_168 = arith.maximumf %max3A_167, %gather3A_112 : vector<16xf32>
      %max3A_169 = arith.maximumf %max3A_168, %gather3A_123 : vector<16xf32>
      %max3A_170 = arith.maximumf %max3A_169, %gather3A_134 : vector<16xf32>
      %max3A_171 = arith.maximumf %max3A_170, %gather3A_145 : vector<16xf32>
      %max3A_172 = arith.maximumf %max3A_171, %gather3A_156 : vector<16xf32>
      %broadcast_in_dim3A_173 = arith.constant 0.000000e+00 : f32
      %broadcast_in_dim3A_174 = vector.broadcast %broadcast_in_dim3A_173 : f32 to vector<16xf32>
      %sub3A_175 = arith.subf %gather3A_57, %max3A_172 : vector<16xf32>
      %exp3A = math.exp %sub3A_175 : vector<16xf32>
      %add3A_176 = arith.addf %broadcast_in_dim3A_174, %exp3A : vector<16xf32>
      %sub3A_177 = arith.subf %gather3A_68, %max3A_172 : vector<16xf32>
      %exp3A_178 = math.exp %sub3A_177 : vector<16xf32>
      %add3A_179 = arith.addf %add3A_176, %exp3A_178 : vector<16xf32>
      %sub3A_180 = arith.subf %gather3A_79, %max3A_172 : vector<16xf32>
      %exp3A_181 = math.exp %sub3A_180 : vector<16xf32>
      %add3A_182 = arith.addf %add3A_179, %exp3A_181 : vector<16xf32>
      %sub3A_183 = arith.subf %gather3A_90, %max3A_172 : vector<16xf32>
      %exp3A_184 = math.exp %sub3A_183 : vector<16xf32>
      %add3A_185 = arith.addf %add3A_182, %exp3A_184 : vector<16xf32>
      %sub3A_186 = arith.subf %gather3A_101, %max3A_172 : vector<16xf32>
      %exp3A_187 = math.exp %sub3A_186 : vector<16xf32>
      %add3A_188 = arith.addf %add3A_185, %exp3A_187 : vector<16xf32>
      %sub3A_189 = arith.subf %gather3A_112, %max3A_172 : vector<16xf32>
      %exp3A_190 = math.exp %sub3A_189 : vector<16xf32>
      %add3A_191 = arith.addf %add3A_188, %exp3A_190 : vector<16xf32>
      %sub3A_192 = arith.subf %gather3A_123, %max3A_172 : vector<16xf32>
      %exp3A_193 = math.exp %sub3A_192 : vector<16xf32>
      %add3A_194 = arith.addf %add3A_191, %exp3A_193 : vector<16xf32>
      %sub3A_195 = arith.subf %gather3A_134, %max3A_172 : vector<16xf32>
      %exp3A_196 = math.exp %sub3A_195 : vector<16xf32>
      %add3A_197 = arith.addf %add3A_194, %exp3A_196 : vector<16xf32>
      %sub3A_198 = arith.subf %gather3A_145, %max3A_172 : vector<16xf32>
      %exp3A_199 = math.exp %sub3A_198 : vector<16xf32>
      %add3A_200 = arith.addf %add3A_197, %exp3A_199 : vector<16xf32>
      %sub3A_201 = arith.subf %gather3A_156, %max3A_172 : vector<16xf32>
      %exp3A_202 = math.exp %sub3A_201 : vector<16xf32>
      %add3A_203 = arith.addf %add3A_200, %exp3A_202 : vector<16xf32>
      %add3A_204 = arith.addi %mul3A_46, %get3A_17 : vector<16xi32>
      %gather3A_205 = tpu.vector_load_idx %arg8[%add3A_204] : memref<1024xf32, #tpu.memory_space<vmem>>[vector<16xi32>], vector<16xf32>,
      %add3A_206 = arith.addi %mul3A_49, %get3A_17 : vector<16xi32>
      %gather3A_207 = tpu.vector_load_idx %arg6[%add3A_206] : memref<40960xf32, #tpu.memory_space<vmem>>[vector<16xi32>], vector<16xf32>,
      %eq3A_208 = arith.constant 0 : i32
      %eq3A_209 = vector.broadcast %eq3A_208 : i32 to vector<16xi32>
      %eq3A_210 = arith.cmpi eq, %get3A_17, %eq3A_209 : vector<16xi32>
      %add3A_211 = arith.addf %add3A_163, %gather3A_205 : vector<16xf32>
      %mul3A_212 = arith.constant 2.62737274E-4 : f32
      %mul3A_213 = vector.broadcast %mul3A_212 : f32 to vector<16xf32>
      %mul3A_214 = arith.mulf %mul3A_213, %add3A_211 : vector<16xf32>
      %sub3A_215 = arith.constant 1.000000e+00 : f32
      %sub3A_216 = vector.broadcast %sub3A_215 : f32 to vector<16xf32>
      %sub3A_217 = arith.subf %mul3A_214, %sub3A_216 : vector<16xf32>
      %mul3A_218 = arith.mulf %gather3A_207, %sub3A_217 : vector<16xf32>
      %mul3A_219 = arith.constant 2.62737274E-4 : f32
      %mul3A_220 = vector.broadcast %mul3A_219 : f32 to vector<16xf32>
      %mul3A_221 = arith.mulf %mul3A_220, %add3A_162 : vector<16xf32>
      %sub3A_222 = arith.subf %mul3A_218, %mul3A_221 : vector<16xf32>
      %jit3A_223 = arith.constant 0.000000e+00 : f32
      %broadcast_in_dim3A_224 = vector.broadcast %jit3A_223 : f32 to vector<16xf32>
      %select_n3A_225 = arith.select %eq3A_210, %broadcast_in_dim3A_224, %sub3A_222 : vector<16xi1>, vector<16xf32>
      %mul3A_226 = arith.constant 2.62737274E-4 : f32
      %mul3A_227 = vector.broadcast %mul3A_226 : f32 to vector<16xf32>
      %mul3A_228 = arith.mulf %mul3A_227, %gather3A_205 : vector<16xf32>
      %sub3A_229 = arith.constant 1.000000e+00 : f32
      %sub3A_230 = vector.broadcast %sub3A_229 : f32 to vector<16xf32>
      %sub3A_231 = arith.subf %sub3A_230, %mul3A_228 : vector<16xf32>
      %jit3A_232 = arith.constant 0.000000e+00 : f32
      %broadcast_in_dim3A_233 = vector.broadcast %jit3A_232 : f32 to vector<16xf32>
      %select_n3A_234 = arith.select %eq3A_210, %broadcast_in_dim3A_233, %sub3A_231 : vector<16xi1>, vector<16xf32>
      %jit3A_235 = arith.constant 1.000000e+00 : f32
      %jit3A_236 = arith.constant 0.000000e+00 : f32
      %broadcast_in_dim3A_237 = vector.broadcast %jit3A_235 : f32 to vector<16xf32>
      %broadcast_in_dim3A_238 = vector.broadcast %jit3A_236 : f32 to vector<16xf32>
      %select_n3A_239 = arith.select %eq3A_210, %broadcast_in_dim3A_237, %broadcast_in_dim3A_238 : vector<16xi1>, vector<16xf32>
      %mul3A_240 = arith.constant 16 : i32
      %mul3A_241 = arith.muli %scan3A_10, %mul3A_240 : i32
      %swap3A = arith.constant 0 : i32
      %swap3A_242 = arith.index_cast %swap3A : i32 to index
      %swap3A_243 = arith.index_cast %mul3A_241 : i32 to index
      %swap3A_244 = tpu.vector_load %arg9[%swap3A_242, %swap3A_243] {strides = array<i32>} : memref<5x4096xf32, #tpu.memory_space<vmem>>, vector<16xf32>,
      tpu.vector_store %arg9[%swap3A_242, %swap3A_243], %add3A_203 {strides = array<i32>} : memref<5x4096xf32, #tpu.memory_space<vmem>>, vector<16xf32>,
      %swap3A_245 = arith.constant 1 : i32
      %swap3A_246 = arith.index_cast %swap3A_245 : i32 to index
      %swap3A_247 = arith.index_cast %mul3A_241 : i32 to index
      %swap3A_248 = tpu.vector_load %arg9[%swap3A_246, %swap3A_247] {strides = array<i32>} : memref<5x4096xf32, #tpu.memory_space<vmem>>, vector<16xf32>,
      tpu.vector_store %arg9[%swap3A_246, %swap3A_247], %max3A_172 {strides = array<i32>} : memref<5x4096xf32, #tpu.memory_space<vmem>>, vector<16xf32>,
      %swap3A_249 = arith.constant 2 : i32
      %swap3A_250 = arith.index_cast %swap3A_249 : i32 to index
      %swap3A_251 = arith.index_cast %mul3A_241 : i32 to index
      %swap3A_252 = tpu.vector_load %arg9[%swap3A_250, %swap3A_251] {strides = array<i32>} : memref<5x4096xf32, #tpu.memory_space<vmem>>, vector<16xf32>,
      tpu.vector_store %arg9[%swap3A_250, %swap3A_251], %select_n3A_225 {strides = array<i32>} : memref<5x4096xf32, #tpu.memory_space<vmem>>, vector<16xf32>,
      %swap3A_253 = arith.constant 3 : i32
      %swap3A_254 = arith.index_cast %swap3A_253 : i32 to index
      %swap3A_255 = arith.index_cast %mul3A_241 : i32 to index
      %swap3A_256 = tpu.vector_load %arg9[%swap3A_254, %swap3A_255] {strides = array<i32>} : memref<5x4096xf32, #tpu.memory_space<vmem>>, vector<16xf32>,
      tpu.vector_store %arg9[%swap3A_254, %swap3A_255], %select_n3A_234 {strides = array<i32>} : memref<5x4096xf32, #tpu.memory_space<vmem>>, vector<16xf32>,
      %swap3A_257 = arith.constant 4 : i32
      %swap3A_258 = arith.index_cast %swap3A_257 : i32 to index
      %swap3A_259 = arith.index_cast %mul3A_241 : i32 to index
      %swap3A_260 = tpu.vector_load %arg9[%swap3A_258, %swap3A_259] {strides = array<i32>} : memref<5x4096xf32, #tpu.memory_space<vmem>>, vector<16xf32>,
      tpu.vector_store %arg9[%swap3A_258, %swap3A_259], %select_n3A_239 {strides = array<i32>} : memref<5x4096xf32, #tpu.memory_space<vmem>>, vector<16xf32>,
    }
    %scan3A_9 = arith.constant 256 : i32
    "tpu.region"() ({
      %run_scoped3A = tpu.sem_alloc : memref<!tpu.dma_semaphore, #tpu.memory_space<semaphore_mem>>
      %dma_start3A = arith.constant 0 : i32
      %dma_start3A_10 = arith.constant 0 : i32
      %dma_start3A_11 = tpu.memref_slice %arg5[%dma_start3A, %add3A, %dma_start3A_10] : memref<5x32x4096xf32, #tpu.memory_space<hbm>> -> memref<5x1x4096xf32, #tpu.memory_space<hbm>>
      %dma_start3A_12 = tpu.memref_squeeze %dma_start3A_11 : memref<5x1x4096xf32, #tpu.memory_space<hbm>> -> memref<5x4096xf32, #tpu.memory_space<hbm>>
      %dma_start3A_13 = arith.constant 0 : i32
      %dma_start3A_14 = arith.constant 0 : i32
      %dma_start3A_15 = tpu.memref_slice %arg5[%dma_start3A_13, %add3A, %dma_start3A_14] : memref<5x32x4096xf32, #tpu.memory_space<hbm>> -> memref<5x1x4096xf32, #tpu.memory_space<hbm>>
      %dma_start3A_16 = tpu.memref_squeeze %dma_start3A_15 : memref<5x1x4096xf32, #tpu.memory_space<hbm>> -> memref<5x4096xf32, #tpu.memory_space<hbm>>
      tpu.enqueue_dma source(%arg9 : memref<5x4096xf32, #tpu.memory_space<vmem>>) target(%dma_start3A_16 : memref<5x4096xf32, #tpu.memory_space<hbm>>) target_semaphore(%run_scoped3A : memref<!tpu.dma_semaphore, #tpu.memory_space<semaphore_mem>>)
      %dma_wait3A = arith.constant 0 : i32
      %dma_wait3A_17 = arith.constant 0 : i32
      %dma_wait3A_18 = tpu.memref_slice %arg5[%dma_wait3A, %add3A, %dma_wait3A_17] : memref<5x32x4096xf32, #tpu.memory_space<hbm>> -> memref<5x1x4096xf32, #tpu.memory_space<hbm>>
      %dma_wait3A_19 = tpu.memref_squeeze %dma_wait3A_18 : memref<5x1x4096xf32, #tpu.memory_space<hbm>> -> memref<5x4096xf32, #tpu.memory_space<hbm>>
      %dma_wait3A_20 = arith.constant 0 : i32
      %dma_wait3A_21 = arith.constant 0 : i32
      %dma_wait3A_22 = tpu.memref_slice %arg5[%dma_wait3A_20, %add3A, %dma_wait3A_21] : memref<5x32x4096xf32, #tpu.memory_space<hbm>> -> memref<5x1x4096xf32, #tpu.memory_space<hbm>>
      %dma_wait3A_23 = tpu.memref_squeeze %dma_wait3A_22 : memref<5x1x4096xf32, #tpu.memory_space<hbm>> -> memref<5x4096xf32, #tpu.memory_space<hbm>>
      tpu.wait_dma2 semaphore(%run_scoped3A : memref<!tpu.dma_semaphore, #tpu.memory_space<semaphore_mem>>) src(%arg9 : memref<5x4096xf32, #tpu.memory_space<vmem>>) dst(%dma_wait3A_23 : memref<5x4096xf32, #tpu.memory_space<hbm>>)
      tpu.yield
    }) : () -> ()
    return
  }
}

module attributes {stable_mosaic.version = 14 : i64} {
  func.func @_tc_body(%arg0: i32, %arg1: memref<5x8x4096xf32, #tpu.memory_space<vmem>>, %arg2: memref<1x1xf32, #tpu.memory_space<smem>>, %arg3: memref<1xf32, #tpu.memory_space<smem>>, %arg4: memref<1xf32, #tpu.memory_space<smem>>) attributes {dimension_semantics = [#tpu.dimension_semantics<arbitrary>], iteration_bounds = array<i64: 4>, scalar_prefetch = 0 : i64, scratch_operands = 2 : i64, tpu.core_type = #tpu.core_type<tc>, window_params = [{transform_indices = @transform_0, window_bounds = array<i64: 5, 8, 4096>}, {transform_indices = @transform_1, window_bounds = array<i64: 1, 1>}]} {
    %get3A = arith.constant 0 : index
    %get3A_0 = arith.constant 0 : index
    %get3A_1 = arith.constant 0 : index
    %get3A_2 = vector.load %arg1[%get3A, %get3A_0, %get3A_1] : memref<5x8x4096xf32, #tpu.memory_space<vmem>>, vector<1x8x4096xf32>
    %get3A_3 = vector.shape_cast %get3A_2 : vector<1x8x4096xf32> to vector<8x4096xf32>
    %get3A_4 = arith.constant 1 : index
    %get3A_5 = arith.constant 0 : index
    %get3A_6 = arith.constant 0 : index
    %get3A_7 = vector.load %arg1[%get3A_4, %get3A_5, %get3A_6] : memref<5x8x4096xf32, #tpu.memory_space<vmem>>, vector<1x8x4096xf32>
    %get3A_8 = vector.shape_cast %get3A_7 : vector<1x8x4096xf32> to vector<8x4096xf32>
    %get3A_9 = arith.constant 2 : index
    %get3A_10 = arith.constant 0 : index
    %get3A_11 = arith.constant 0 : index
    %get3A_12 = vector.load %arg1[%get3A_9, %get3A_10, %get3A_11] : memref<5x8x4096xf32, #tpu.memory_space<vmem>>, vector<1x8x4096xf32>
    %get3A_13 = vector.shape_cast %get3A_12 : vector<1x8x4096xf32> to vector<8x4096xf32>
    %get3A_14 = arith.constant 3 : index
    %get3A_15 = arith.constant 0 : index
    %get3A_16 = arith.constant 0 : index
    %get3A_17 = vector.load %arg1[%get3A_14, %get3A_15, %get3A_16] : memref<5x8x4096xf32, #tpu.memory_space<vmem>>, vector<1x8x4096xf32>
    %get3A_18 = vector.shape_cast %get3A_17 : vector<1x8x4096xf32> to vector<8x4096xf32>
    %get3A_19 = arith.constant 4 : index
    %get3A_20 = arith.constant 0 : index
    %get3A_21 = arith.constant 0 : index
    %get3A_22 = vector.load %arg1[%get3A_19, %get3A_20, %get3A_21] : memref<5x8x4096xf32, #tpu.memory_space<vmem>>, vector<1x8x4096xf32>
    %get3A_23 = vector.shape_cast %get3A_22 : vector<1x8x4096xf32> to vector<8x4096xf32>
    %log3A = math.log %get3A_3 : vector<8x4096xf32>
    %add3A = arith.addf %log3A, %get3A_8 : vector<8x4096xf32>
    %mul3A = arith.mulf %get3A_18, %add3A : vector<8x4096xf32>
    %add3A_24 = arith.addf %get3A_13, %mul3A : vector<8x4096xf32>
    %reduce_sum3A = vector.shape_cast %add3A_24 : vector<8x4096xf32> to vector<1x8x4096xf32>
    %reduce_sum3A_25 = arith.constant dense<0.000000e+00> : vector<1xf32>
    %reduce_sum3A_26 = vector.multi_reduction <add>, %reduce_sum3A, %reduce_sum3A_25 [1, 2] : vector<1x8x4096xf32> to vector<1xf32>
    %reduce_sum3A_27 = vector.shape_cast %reduce_sum3A_26 : vector<1xf32> to vector<1x1x1xf32>
    %reduce_sum3A_28 = vector.extract %reduce_sum3A_27[0, 0, 0] : f32 from vector<1x1x1xf32>
    %reduce_sum3A_29 = vector.shape_cast %get3A_23 : vector<8x4096xf32> to vector<1x8x4096xf32>
    %reduce_sum3A_30 = arith.constant dense<0.000000e+00> : vector<1xf32>
    %reduce_sum3A_31 = vector.multi_reduction <add>, %reduce_sum3A_29, %reduce_sum3A_30 [1, 2] : vector<1x8x4096xf32> to vector<1xf32>
    %reduce_sum3A_32 = vector.shape_cast %reduce_sum3A_31 : vector<1xf32> to vector<1x1x1xf32>
    %reduce_sum3A_33 = vector.extract %reduce_sum3A_32[0, 0, 0] : f32 from vector<1x1x1xf32>
    %eq3A = arith.constant 0 : i32
    %eq3A_34 = arith.cmpi eq, %arg0, %eq3A : i32
    %convert_element_type3A = arith.extui %eq3A_34 : i1 to i32
    %cond3A = arith.constant 0 : i32
    %cond3A_35 = arith.cmpi ne, %convert_element_type3A, %cond3A : i32
    scf.if %cond3A_35 {
      %swap3A_50 = arith.constant 0.000000e+00 : f32
      %swap3A_51 = arith.constant 0 : index
      %swap3A_52 = memref.load %arg3[%swap3A_51] : memref<1xf32, #tpu.memory_space<smem>>
      memref.store %swap3A_50, %arg3[%swap3A_51] : memref<1xf32, #tpu.memory_space<smem>>
      %swap3A_53 = arith.constant 0.000000e+00 : f32
      %swap3A_54 = arith.constant 0 : index
      %swap3A_55 = memref.load %arg4[%swap3A_54] : memref<1xf32, #tpu.memory_space<smem>>
      memref.store %swap3A_53, %arg4[%swap3A_54] : memref<1xf32, #tpu.memory_space<smem>>
    } else {
    }
    %get3A_36 = arith.constant 0 : index
    %get3A_37 = memref.load %arg3[%get3A_36] : memref<1xf32, #tpu.memory_space<smem>>
    %add3A_38 = arith.addf %get3A_37, %reduce_sum3A_28 : f32
    %swap3A = arith.constant 0 : index
    %swap3A_39 = memref.load %arg3[%swap3A] : memref<1xf32, #tpu.memory_space<smem>>
    memref.store %add3A_38, %arg3[%swap3A] : memref<1xf32, #tpu.memory_space<smem>>
    %get3A_40 = arith.constant 0 : index
    %get3A_41 = memref.load %arg4[%get3A_40] : memref<1xf32, #tpu.memory_space<smem>>
    %add3A_42 = arith.addf %get3A_41, %reduce_sum3A_33 : f32
    %swap3A_43 = arith.constant 0 : index
    %swap3A_44 = memref.load %arg4[%swap3A_43] : memref<1xf32, #tpu.memory_space<smem>>
    memref.store %add3A_42, %arg4[%swap3A_43] : memref<1xf32, #tpu.memory_space<smem>>
    %eq3A_45 = arith.constant 3 : i32
    %eq3A_46 = arith.cmpi eq, %arg0, %eq3A_45 : i32
    %convert_element_type3A_47 = arith.extui %eq3A_46 : i1 to i32
    %cond3A_48 = arith.constant 0 : i32
    %cond3A_49 = arith.cmpi ne, %convert_element_type3A_47, %cond3A_48 : i32
    scf.if %cond3A_49 {
      %get3A_50 = arith.constant 0 : index
      %get3A_51 = memref.load %arg3[%get3A_50] : memref<1xf32, #tpu.memory_space<smem>>
      %get3A_52 = arith.constant 0 : index
      %get3A_53 = memref.load %arg4[%get3A_52] : memref<1xf32, #tpu.memory_space<smem>>
      %div3A = arith.divf %get3A_51, %get3A_53 : f32
      %swap3A_54 = arith.constant 0 : index
      %swap3A_55 = arith.constant 0 : index
      %swap3A_56 = memref.load %arg2[%swap3A_54, %swap3A_55] : memref<1x1xf32, #tpu.memory_space<smem>>
      memref.store %div3A, %arg2[%swap3A_54, %swap3A_55] : memref<1x1xf32, #tpu.memory_space<smem>>
    } else {
    }
    return
  }
  func.func @transform_0(%arg0: i32) -> (i32, i32, i32) {
    %c0_i32 = arith.constant 0 : i32
    %c0_i32_0 = arith.constant 0 : i32
    %c0_i32_1 = arith.constant 0 : i32
    return %c0_i32, %arg0, %c0_i32_0 : i32, i32, i32
  }
  func.func @transform_1(%arg0: i32) -> (i32, i32) {
    %c0_i32 = arith.constant 0 : i32
    %c0_i32_0 = arith.constant 0 : i32
    %c0_i32_1 = arith.constant 0 : i32
    return %c0_i32, %c0_i32_0 : i32, i32
  }
}

</mosaic_0001>

<sc_bundles>
// kernel: kernel.4.cloned.1.call-start
scs
__scs_entry_jumppad:
0x0: {  	(pc) =	sbr.rel $0x88, $3  }
0x1: {  	(tag) =	ssettag $0x0;
	lr =	simm.s32 $0x1  }
0x2: {  	[smem:$0x3F9E] =	sst lr;
	_ =	strace $0xD0000000  }
0x3: {  	_ = 	snop  }
0x4: {  	_ = 	snop  }
0x5: {  	_ = 	snop  }
0x6: {  	_ = 	snop  }
0x7: {  	_ = 	snop  }
__scs_overlays_trampoline_lowered:
0x8: {  	[smem:$0x3FAD] =	sst s0  }
0x9: {  	[smem:$0x3FAE] =	sst s1  }
0xa: {  	[smem:$0x3FAF] =	sst s2  }
0xb: {  	[smem:$0x3FB0] =	sst s3  }
0xc: {  	[smem:$0x3FB1] =	sst s4  }
0xd: {  	[smem:$0x3FB2] =	sst s5  }
0xe: {  	[smem:$0x3FB3] =	sst s6  }
0xf: {  	[smem:$0x3FB4] =	sst s7  }
0x10: {  	[smem:$0x3FB5] =	sst s8  }
0x11: {  	[smem:$0x3FB6] =	sst s9;
	s0 =	simm.s32 @!p0 $0x0  }
0x12: {  	s1 =	sld [smem:$0x3F9C];
	s0 =	simm.s32 @p0 $0x1  }
0x13: {  	[smem:$0x3FB7] =	sst s0;
	s0 =	simm.s32 @!p1 $0x0  }
0x14: {  	s2 =	sld [smem:$0x3F9B];
	s0 =	simm.s32 @p1 $0x1  }
0x15: {  	[smem:$0x3FB8] =	sst s0;
	s0 =	simm.s32 @!p2 $0x0  }
0x16: {  	s3 =	sld [smem:$0x3FDB];
	s0 =	simm.s32 @p2 $0x1  }
0x17: {  	s4 =	simm.s32 $0x1BF5;
	[smem:$0x3FBA] =	sst s0  }
0x18: {  	s0 =	sld [smem:$0x3F9D];
	_ =	swait.ge [sflag:s4], $0x0  }
0x19: {  	s7 =	sld [smem:$0x3F9E]  }
0x1a: {  	s8 =	sadd.s32 $0xFFFFE003, lr  }
0x1b: {  	s9 =	sadd.s32 $0xFFFFFEF7, lr;
	s5 =	simm.s32 $0xFFFFFFFF;
	p2 =	slt.u32 s8, $0xFFFFF086  }
0x1c: {  	p1 =	slt.u32 s9, $0xF7A;
	s5 =	simm.s32 @!p2 $0x0  }
0x1d: {  	s5 =	simm.s32 @p1 $0x1;
	p0 =	seq.s32 s7, s2  }
0x1e: {  	s7 =	smul.u32 @!p0 $0xF7A, s2;
	p2 =	seq.s32 @!p0 s5, $0x0  }
0x1f: {  	s9 =	smul.u32 $0xF7A, s1;
	s8 =	simm.s32 @!p0 $0x1BF5;
	p2 =	por !p2, p0  }
0x20: {  	[sflag:s8] =	ssyncset.s32 @!p0 $0xFFFFF086;
	s6 =	sadd.s32 @!p0 s3, s7;
	s7 =	simm.s32 @!p0 $0x108  }
0x21: {  	s3 =	sadd.s32 s3, s9;
	s6 =	sadd.s32 @!p0 $0x88, s6;
	s7 =	simm.s32 @p2 $0x1082  }
0x22: {  	[simem:s7], [sflag:s8] =	dma.local @!p0 [hbm:s6], $0xF7A  }
0x23: {  	s9 =	sor.u32 $0xD0000000, s2;
	s6 =	simm.s32 $0x108;
	_ =	swait.ge @!p0 [sflag:s8], $0x0  }
0x24: {  	s3 =	sadd.s32 $0x88, s3;
	s6 =	simm.s32 @!p1 $0x1082;
	[sflag:s4] =	ssyncset.s32 $0xFFFFF086  }
0x25: {  	[simem:s6], [sflag:s4] =	dma.local [hbm:s3], $0xF7A  }
0x26: {  	[smem:$0x3F9E] =	sst s1;
	(tag) =	ssettag s2;
	_ =	strace s9  }
0x27: {  	s1 =	sld [smem:$0x3FAE]  }
0x28: {  	s2 =	sld [smem:$0x3FAF]  }
0x29: {  	s4 =	sld [smem:$0x3FB1]  }
0x2a: {  	p0 =	seq.s32 s5, $0x0;
	s5 =	sld [smem:$0x3FB2]  }
0x2b: {  	s6 =	sld [smem:$0x3FB3]  }
0x2c: {  	s7 =	sld [smem:$0x3FB4]  }
0x2d: {  	s3 =	simm.s32 $0x108;
	s8 =	sld [smem:$0x3FB5]  }
0x2e: {  	s3 =	simm.s32 @!p0 $0x1082;
	s9 =	sld [smem:$0x3FB6]  }
0x2f: {  	lr =	sadd.s32 s0, s3;
	s0 =	sld [smem:$0x3FAD]  }
0x30: {  	s3 =	sld [smem:$0x3FB0]  }
0x31: {  	[smem:$0x3FB9] =	sst s10  }
0x32: {  	s10 =	sld [smem:$0x3FB7];
	_ =	sdelay $0x3  }
0x33: {  	p0 =	seq.s32 s10, $0x1;
	s10 =	sld [smem:$0x3FB9];
	_ =	sdelay $0x3  }
0x34: {  	[smem:$0x3FB9] =	sst s10  }
0x35: {  	s10 =	sld [smem:$0x3FB8];
	_ =	sdelay $0x3  }
0x36: {  	p1 =	seq.s32 s10, $0x1;
	s10 =	sld [smem:$0x3FB9];
	_ =	sdelay $0x3  }
0x37: {  	[smem:$0x3FB9] =	sst s10  }
0x38: {  	s10 =	sld [smem:$0x3FBA]  }
0x39: {  	_ = 	snop;
	(pc) =	sbr.ind lr, $3  }
0x3a: {  	_ = 	snop  }
0x3b: {  	_ = 	snop  }
0x3c: {  	p2 =	seq.s32 s10, $0x1;
	s10 =	sld [smem:$0x3FB9]  }
0x3d: {  	_ =	shalt  }
0x3e: {  	_ =	shalt  }
0x3f: {  	_ =	shalt  }
0x40: {  	_ =	shalt  }
0x41: {  	_ =	shalt  }
0x42: {  	_ =	shalt  }
0x43: {  	_ =	shalt  }
0x44: {  	_ =	shalt  }
0x45: {  	_ =	shalt  }
0x46: {  	_ =	shalt  }
0x47: {  	_ =	shalt  }
0x48: {  	_ =	shalt  }
0x49: {  	_ =	shalt  }
0x4a: {  	_ =	shalt  }
0x4b: {  	_ =	shalt  }
0x4c: {  	_ =	shalt  }
0x4d: {  	_ =	shalt  }
0x4e: {  	_ =	shalt  }
0x4f: {  	_ =	shalt  }
0x50: {  	_ =	shalt  }
0x51: {  	_ =	shalt  }
0x52: {  	_ =	shalt  }
0x53: {  	_ =	shalt  }
0x54: {  	_ =	shalt  }
0x55: {  	_ =	shalt  }
0x56: {  	_ =	shalt  }
0x57: {  	_ =	shalt  }
0x58: {  	_ =	shalt  }
0x59: {  	_ =	shalt  }
0x5a: {  	_ =	shalt  }
0x5b: {  	_ =	shalt  }
0x5c: {  	_ =	shalt  }
0x5d: {  	_ =	shalt  }
0x5e: {  	_ =	shalt  }
0x5f: {  	_ =	shalt  }
0x60: {  	_ =	shalt  }
0x61: {  	_ =	shalt  }
0x62: {  	_ =	shalt  }
0x63: {  	_ =	shalt  }
0x64: {  	_ =	shalt  }
0x65: {  	_ =	shalt  }
0x66: {  	_ =	shalt  }
0x67: {  	_ =	shalt  }
0x68: {  	_ =	shalt  }
0x69: {  	_ =	shalt  }
0x6a: {  	_ =	shalt  }
0x6b: {  	_ =	shalt  }
0x6c: {  	_ =	shalt  }
0x6d: {  	_ =	shalt  }
0x6e: {  	_ =	shalt  }
0x6f: {  	_ =	shalt  }
0x70: {  	_ =	shalt  }
0x71: {  	_ =	shalt  }
0x72: {  	_ =	shalt  }
0x73: {  	_ =	shalt  }
0x74: {  	_ =	shalt  }
0x75: {  	_ =	shalt  }
0x76: {  	_ =	shalt  }
0x77: {  	_ =	shalt  }
0x78: {  	_ =	shalt  }
0x79: {  	_ =	shalt  }
0x7a: {  	_ =	shalt  }
0x7b: {  	_ =	shalt  }
0x7c: {  	_ =	shalt  }
0x7d: {  	_ =	shalt  }
0x7e: {  	_ =	shalt  }
0x7f: {  	_ =	shalt  }
0x80: {  	_ =	shalt  }
0x81: {  	_ =	shalt  }
0x82: {  	_ =	shalt  }
0x83: {  	_ =	shalt  }
0x84: {  	_ =	shalt  }
0x85: {  	_ =	shalt  }
0x86: {  	_ =	shalt  }
0x87: {  	_ =	shalt  }
.Lfunc_end0:
.L_simem_size_0:
called_computation_lowered:
.L_overlay_start_0:
0x88: {  	s2 =	sld [smem:$0x3FD9]  }
0x89: {  	s3 =	sld [smem:$0x3FFE];
	_ =	sdelay $0x1  }
0x8a: {  	s1 =	srdreg.scid  }
0x8b: {  	s0 =	sand.u32 $0x1, s1  }
0x8c: {  	s16 =	sshll.u32 s0, $0xA;
	s2 =	sadd.s32 s3, s2  }
0x8d: {  	s2 =	sadd.s32 s2, s16  }
0x8e: {  	[smem:$0x3FC5] =	sst s2  }
0x8f: {  	_ = 	snop  }
0x90: {  	(tm) =	ssettm $0x1  }
0x91: {  	s17 =	sld [smem:$0x3FFB];
	_ =	sdelay $0x3  }
0x92: {  	_ =	strace s17  }
0x93: {  	s2 =	sld [smem:$0x3FFC];
	_ =	sdelay $0x3  }
0x94: {  	_ =	strace s2  }
0x95: {  	s2 =	sld [smem:$0x3FFD];
	_ =	sdelay $0x3  }
0x96: {  	_ =	strace s2  }
0x97: {  	_ =	strace $0x8FFFFFFF  }
0x98: {  	s18 =	sld [smem:$0x3FDB];
	_ =	sdelay $0x1  }
0x99: {  	s19 =	simm.s32 $_scs_section_size  }
0x9a: {  	s4 =	simm.s32 $_size__tile_overlayer_lowered;
	s5 =	simm.s32 $_tile_overlayer_lowered  }
0x9b: {  	s22 =	simm.s32 $0x1BFF;
	s21 =	sshll.u32 s5, $0x1;
	s2 =	sadd.s32 s19, s18  }
0x9c: {  	s6 =	simm.s32 $0x0;
	s20 =	sshll.u32 s4, $0x1;
	s4 =	sadd.s32 s21, s2  }
0x9d: {  	[timem:s6], [sflag:s22] =	dma.local [hbm:s4], s20  }
0x9e: {  	_ =	swait.ge [sflag:s22], s20  }
0x9f: {  	s3 =	ssub.s32 $0x0, s20;
	[sflag:s22] =	ssyncset.done $0x0  }
0xa0: {  	[sflag:s22] =	ssyncadd.s32 s3;
	_ =	sdelay $0x1  }
0xa1: {  	s23 =	simm.s32 $0x1B8B  }
0xa2: {  	_ =	swait.ge [sflag:s23], $0x1  }
0xa3: {  	[sflag:s23] =	ssyncset.done $0x0  }
0xa4: {  	s25 =	simm.s32 $0x1B8E;
	s24 =	sld [smem:$0x3FFE];
	[sflag:s23] =	ssyncadd.s32 $0xFFFFFFFF  }
0xa5: {  	s26 =	simm.s32 $execute0_lowered;
	[smem:$0x3FD2] =	sst s25  }
0xa6: {  	s4 =	sshll.u32 s26, $0x1;
	_ =	strace $0x80000046;
	[dreg:$0x1] =	wrdreg $0xFFFFFFFF  }
0xa7: {  	s28 =	simm.s32 $_size_execute0_lowered;
	s2 =	sadd.s32 s2, s4;
	[dreg:$0x0] =	wrdreg $0x0  }
0xa8: {  	s4 =	sshll.u32 s28, $0x1;
	[dreg:$0x2] =	wrdreg s2  }
0xa9: {  	[dreg:$0x3] =	wrdreg s4  }
0xaa: {  	[dreg:$0x4] =	wrdreg $0xC0  }
0xab: {  	_ =	task [dreg:s6], $0x5FFFF  }
0xac: {  	[dreg:$0x1] =	wrdreg $0xFFFFFFFF  }
0xad: {  	[dreg:$0x0] =	wrdreg $0x60  }
0xae: {  	[dreg:$0x2] =	wrdreg s24  }
0xaf: {  	[dreg:$0x3] =	wrdreg $0x9  }
0xb0: {  	_ =	task.clear_ibuf [dreg:s6], $0x4FFFF;
	_ =	strace $0x90000046  }
0xb1: {  	s29 =	simm.s32 $0x9;
	_ =	strace $0x80000048  }
0xb2: {  	_ =	swait.ge [sflag:s29], $0x1  }
0xb3: {  	[sflag:s29] =	ssyncadd.s32 $0xFFFFFFFF  }
0xb4: {  	_ =	strace $0x90000048  }
0xb5: {  	_ =	sfence  }
0xb6: {  	s30 =	sld [smem:$0x0];
	_ =	sdelay $0x2  }
0xb7: {  	s31 =	sshll.u32 s1, $0xD;
	s1 =	sshrl.u32 s1, $0x2  }
0xb8: {  	s3 =	sand.u32 $0x4000, s31;
	s1 =	sadd.s32 s1, s30  }
0xb9: {  	s0 =	sor.u32 s3, s0;
	s1 =	sshll.u32 s1, $0x11  }
0xba: {  	s0 =	sor.u32 s1, s0  }
0xbb: {  	s0 =	sadd.s32 $0x8F2B, s0  }
0xbc: {  	[sflag:s0] =	ssyncadd.remote.s32 $0x1  }
0xbd: {  	_ =	sfence.sel $0xFFFF  }
0xbe: {  	[dreg:$0x0] =	wrdreg $0xFFFFFFFF;
	(pc) =	sbr.abs _section_cstart, $3  }
0xbf: {  	[dreg:$0x1] =	wrdreg $0xFFFFFFFF  }
0xc0: {  	_ =	task.clear_ibuf [dreg:s6], $0x2FFFF;
	_ =	strace $0x9FFFFFFF  }
0xc1: {  	(tm) =	ssettm $0x7FFFFFFF  }
tec
execute0_lowered:
.L_overlay_start_1:
0x0: {  	(tag) =	ssettag $0x1  }
0x1: {  	s1 =	srdreg.scid  }
0x2: {  	s0 =	stileid.u32;
	s5 =	rddreg [dreg:$0x0];
	s2 =	simm.s32 $0x0  }
0x3: {  	s10 =	simm.s32 $0xA000;
	s11 =	simm.s32 $0x80;
	s12 =	simm.s32 $0x20000  }
0x4: {  	s13 =	simm.s32 $0x0;
	s4 =	sand.u32 $0x1, s1;
	s1 =	rddreg [dreg:$0x1]  }
0x5: {  	s29 =	sshll.u32 s0, $0x1;
	[smem:$0x7FF] =	sst s2;
	s9 =	sshll.u32 s0, $0xA  }
0x6: {  	s6 =	sor.u32 s4, s29;
	_ =	strace $0x80000047;
	s9 =	sand.u32 $0x3000, s9  }
0x7: {  	v1 =	vlaneseq.u32;
	s4 =	ssub.s32 $0x2, s4;
	s3 =	smul.u32 $0x1400, s6;
	s30 =	sshll.u32 s6, $0x9  }
0x8: {  	v0 =	vadd.s32 $0xFFFFFFFF, v1;
	v1 =	vmul.u32 $0xA, v1;
	s6 =	sshll.u32 s6, $0x4;
	s31 =	sshrl.u32 s4, $0x1;
	s8 =	sadd.s32 s30, s5  }
0x9: {  	vm0 =	vmxor vm0, vm0;
	vm1 =	vmmov $0x1;
	v2 =	vimm.f32 $0.0e+00;
	s6 =	sand.u32 $0x70, s6;
	s7 =	sadd.s32 s3, s5;
	s3 =	sadd.s32 $0x4A00, s5  }
0xa: {  	v3 =	vor.u32 $0x1, v1;
	v4 =	vadd.s32 $0x2, v1;
	v5 =	vadd.s32 $0x3, v1;
	s5 =	sadd.s32 s9, s5;
	s9 =	ssub.s32 s4, s31;
	s4 =	sadd.s32 $0x200A00, s7  }
0xb: {  	v6 =	vadd.s32 $0x4, v1;
	v7 =	vadd.s32 $0x5, v1;
	v8 =	vadd.s32 $0x6, v1;
	s6 =	sadd.s32 s6, s5;
	s5 =	sadd.s32 $0xA00, s8;
	s7 =	smax.u32 s9, $0x1  }
0xc: {  	v9 =	vadd.s32 $0x7, v1;
	v10 =	vadd.s32 $0x8, v1;
	v11 =	vadd.s32 $0x9, v1;
	s8 =	simm.s32 $0x1;
	s9 =	simm.s32 $0xB000;
	s6 =	sadd.s32 $0x4C00, s6  }
.LBB2_1:
0xd: {  	[tilespmem:s2], [sflag:$0x1] =	stream.linear.gather [hbm4b:s4+s2], $0xA000, $0x38;
	[tilespmem:$0x13400] =	vst v63  }
0xe: {  	_ =	swait.ge [sflag:s8], $0xA000  }
0xf: {  	[sflag:s8] =	ssyncset.done $0x0  }
0x10: {  	[sflag:s8] =	ssyncadd.s32 $0xFFFF6000  }
0x11: {  	[tilespmem:s10], [sflag:$0x1] =	stream.linear.gather [hbm4b:s5+s2], $0x1000, $0x38;
	[tilespmem:$0x13400] =	vst v63  }
0x12: {  	v12 =	vadd.s32 s2, v0;
	_ =	swait.ge [sflag:s8], $0x1000  }
0x13: {  	v13 =	vmov s2;
	vm2 =	vgt.s32 v12, $0x0;
	[sflag:s8] =	ssyncset.done $0x0  }
0x14: {  	v13 =	vmul.u32 $0xA, v13;
	v12 =	vnsel vm2, $0x0, v12;
	[sflag:s8] =	ssyncadd.s32 $0xFFFFF000  }
0x15: {  	[tilespmem:s9], [sflag:$0x1] =	stream.linear.gather [hbm4b:s3+s2], $0x400, $0x38;
	[tilespmem:$0x13400] =	vst v63  }
0x16: {  	v14 =	vadd.s32 v3, v13;
	_ =	swait.ge [sflag:s8], $0x400  }
0x17: {  	v15 =	vadd.s32 v1, v13;
	[sflag:s8] =	ssyncset.done $0x0  }
0x18: {  	v16 =	vadd.s32 v4, v13;
	[sflag:s8] =	ssyncadd.s32 $0xFFFFFC00  }
0x19: {  	v17 =	vadd.s32 v5, v13;
	v12 =	vld.idx.msk [tilespmem:v12+s10+$0x0], $0xffff  }
0x1a: {  	v19 =	vadd.s32 v6, v13;
	v18 =	vld [tilespmem:s10+$0x0]  }
0x1b: {  	v20 =	vadd.s32 v7, v13;
	v14 =	vld.idx.msk [tilespmem:v14+s2+$0x0], $0xffff  }
0x1c: {  	s14 =	sand.u32 $0x1F, s2;
	v22 =	vadd.s32 v8, v13;
	v21 =	vld.idx.msk [tilespmem:v15+s2+$0x0], $0xffff  }
0x1d: {  	p0 =	seq.s32 s14, $0x0;
	vm2 =	vmmov vm0;
	v23 =	vadd.s32 v9, v13;
	v16 =	vld.idx.msk [tilespmem:v16+s2+$0x0], $0xffff  }
0x1e: {  	v24 =	vadd.s32 v10, v13;
	vm2 =	vmneg @p0 vm2;
	v17 =	vld.idx.msk [tilespmem:v17+s2+$0x0], $0xffff;
	v12 =	vmul.u32 $0xA, v12  }
0x1f: {  	v13 =	vadd.s32 v11, v13;
	vm2 =	vmand vm2, vm1;
	v19 =	vld.idx.msk [tilespmem:v19+s2+$0x0], $0xffff  }
0x20: {  	v20 =	vld.idx.msk [tilespmem:v20+s2+$0x0], $0xffff;
	v12 =	vsel vm2, $0x0, v12  }
0x21: {  	v22 =	vld.idx.msk [tilespmem:v22+s2+$0x0], $0xffff;
	v25 =	vmax.f32 v21, v14;
	v12 =	vadd.s32 v18, v12  }
0x22: {  	v23 =	vld.idx.msk [tilespmem:v23+s2+$0x0], $0xffff;
	v25 =	vmax.f32 v25, v16;
	v12 =	vmul.u32 $0xA, v12  }
0x23: {  	v24 =	vld.idx.msk [tilespmem:v24+s2+$0x0], $0xffff;
	v25 =	vmax.f32 v25, v17  }
0x24: {  	v13 =	vld.idx.msk [tilespmem:v13+s2+$0x0], $0xffff;
	v25 =	vmax.f32 v25, v19  }
0x25: {  	v25 =	vmax.f32 v25, v20;
	v26 =	vor.u32 $0x1, v12  }
0x26: {  	v25 =	vmax.f32 v25, v22  }
0x27: {  	v25 =	vmax.f32 v25, v23;
	v27 =	vadd.s32 $0x2, v12  }
0x28: {  	v25 =	vmax.f32 v25, v24;
	v28 =	vld.idx.msk [tilespmem:v12+s9+$0x0], $0xffff  }
0x29: {  	v30 =	vadd.s32 $0x3, v12;
	v25 =	vmax.f32 v25, v13  }
0x2a: {  	v15 =	vadd.s32 v15, v18;
	v31 =	vadd.s32 $0x4, v12;
	v29 =	vsub.f32 v21, v25;
	v26 =	vld.idx.msk [tilespmem:v26+s9+$0x0], $0xffff  }
0x2b: {  	v32 =	vadd.s32 $0x5, v12;
	v34 =	vadd.s32 $0x6, v12;
	v35 =	vadd.s32 $0x7, v12  }
0x2c: {  	v33 =	vsub.f32 v14, v25;
	v37 =	vsub.f32 v16, v25;
	v29 =	vmul.f32 $1.442695020e+00, v29;
	v27 =	vld.idx.msk [tilespmem:v27+s9+$0x0], $0xffff  }
0x2d: {  	v36 =	vadd.s32 $0x8, v12;
	v38 =	vsub.f32 v17, v25;
	v39 =	vadd.f32 $0.0e+00, v28  }
0x2e: {  	v63 =	vsub.f32 v19, v25;
	v33 =	vmul.f32 $1.442695020e+00, v33;
	v30 =	vld.idx.msk [tilespmem:v30+s9+$0x0], $0xffff;
	(erf) = vpow2.f32 v29  }
0x2f: {  	v40 =	vsub.f32 v20, v25;
	v37 =	vmul.f32 $1.442695020e+00, v37;
	v39 =	vadd.f32 v26, v39  }
0x30: {  	v44 =	vsub.f32 v22, v25;
	v41 =	vld.idx.msk [tilespmem:v31+s9+$0x0], $0xffff;
	(erf) = vpow2.f32 v33;
	v21 =	vmul.f32 v28, v21  }
0x31: {  	v46 =	vsub.f32 v23, v25;
	v38 =	vmul.f32 $1.442695020e+00, v38;
	v43 =	vadd.f32 v27, v39  }
0x32: {  	v32 =	vld.idx.msk [tilespmem:v32+s9+$0x0], $0xffff;
	(erf) = vpow2.f32 v37;
	v14 =	vmul.f32 v26, v14;
	v21 =	vadd.f32 $0.0e+00, v21  }
0x33: {  	v49 =	vsub.f32 v24, v25;
	v42 =	vmul.f32 $1.442695020e+00, v63;
	v31 =	vadd.f32 v30, v43  }
0x34: {  	v47 =	vld.idx.msk [tilespmem:v34+s9+$0x0], $0xffff;
	(erf) = vpow2.f32 v38;
	v16 =	vmul.f32 v27, v16;
	v14 =	vadd.f32 v14, v21  }
0x35: {  	v62 =	vadd.s32 $0x9, v12;
	v58 =	vsub.f32 v13, v25;
	v31 =	vadd.f32 v41, v31  }
0x36: {  	v45 =	vmul.f32 $1.442695020e+00, v40;
	(erf) = vpow2.f32 v42;
	v14 =	vadd.f32 v16, v14;
	v16 =	vld.idx.msk [tilespmem:v35+s9+$0x0], $0xffff  }
0x37: {  	v12 =	vadd.s32 v18, v12;
	v17 =	vmul.f32 v30, v17;
	v50 =	vpop (erf);
	v31 =	vadd.f32 v32, v31  }
0x38: {  	v48 =	vmul.f32 $1.442695020e+00, v44;
	v55 =	vld.idx.msk [tilespmem:v36+s9+$0x0], $0xffff;
	(erf) = vpow2.f32 v45;
	v51 =	vadd.f32 $0.0e+00, v50  }
0x39: {  	v53 =	vpop (erf);
	v14 =	vadd.f32 v17, v14;
	v17 =	vmul.f32 v41, v19;
	v19 =	vadd.f32 v47, v31  }
0x3a: {  	v54 =	vmul.f32 $1.442695020e+00, v46;
	v29 =	vld.idx.msk [tilespmem:v62+s9+$0x0], $0xffff;
	(erf) = vpow2.f32 v48;
	v56 =	vadd.f32 v51, v53  }
0x3b: {  	v57 =	vpop (erf);
	v14 =	vadd.f32 v17, v14;
	v17 =	vmul.f32 v32, v20;
	v19 =	vadd.f32 v16, v19  }
0x3c: {  	v52 =	vmul.f32 $1.442695020e+00, v49;
	(erf) = vpow2.f32 v54;
	v26 =	vadd.f32 v56, v57  }
0x3d: {  	v12 =	vld.idx.msk [tilespmem:v12+s9+$0x0], $0xffff;
	v21 =	vmul.f32 v47, v22;
	v59 =	vpop (erf);
	v14 =	vadd.f32 v17, v14;
	v17 =	vadd.f32 v55, v19  }
0x3e: {  	v60 =	vmul.f32 $1.442695020e+00, v58;
	(erf) = vpow2.f32 v52;
	v20 =	vadd.f32 v26, v59  }
0x3f: {  	v16 =	vmul.f32 v16, v23;
	v14 =	vadd.f32 v21, v14;
	v19 =	vpop (erf);
	v17 =	vadd.f32 v29, v17  }
0x40: {  	v19 =	vadd.f32 v20, v19  }
0x41: {  	v14 =	vadd.f32 v16, v14;
	(erf) = vpow2.f32 v60;
	v61 =	vpop (erf)  }
0x42: {  	v62 =	vmul.f32 v55, v24;
	v16 =	vadd.f32 v12, v17;
	v19 =	vadd.f32 v19, v61  }
0x43: {  	v13 =	vmul.f32 v29, v13;
	v17 =	vpop (erf)  }
0x44: {  	v15 =	vld.idx.msk [tilespmem:v15+s2+$0x0], $0xffff;
	v14 =	vadd.f32 v62, v14;
	v16 =	vmul.f32 $2.627372740e-04, v16;
	v17 =	vadd.f32 v19, v17  }
0x45: {  	vm2 =	veq.s32 v18, $0x0;
	v12 =	vmul.f32 $2.627372740e-04, v12;
	v18 =	vpop (erf)  }
0x46: {  	s14 =	simm.s32 $0x10;
	v13 =	vadd.f32 v13, v14;
	v17 =	vadd.f32 v17, v18  }
0x47: {  	v63 =	vmov s14;
	v12 =	vsub.f32 $1.000000000e+00, v12;
	v14 =	vadd.f32 $-1.000000000e+00, v16  }
0x48: {  	s15 =	sand.u32 $0x70, s2;
	s16 =	sand.u32 $0x7C00, s2;
	v13 =	vmul.f32 $2.627372740e-04, v13;
	v19 =	vsel vm2, $0x3F800000, v2;
	v18 =	vadd.s32 s14, v0;
	v16 =	vpop (erf)  }
0x49: {  	s19 =	sor.u32 s15, s16;
	vm3 =	vgt.s32 v18, $0x0;
	v15 =	vmul.f32 v14, v15;
	v16 =	vadd.f32 v17, v16  }
0x4a: {  	[tilespmem:s19+$0xB600] =	vst v19;
	v19 =	vsel vm2, $0x0, v12;
	v14 =	vmul.u32 $0xA, v63;
	v12 =	vnsel vm3, $0x0, v18;
	v17 =	vpop (erf)  }
0x4b: {  	s17 =	simm.s32 $0x2;
	[tilespmem:s19+$0xB480] =	vst v25;
	v16 =	vadd.f32 v16, v17;
	v17 =	vsub.f32 v15, v13  }
0x4c: {  	s18 =	simm.s32 $0xA000;
	s16 =	simm.s32 $0x1;
	s15 =	simm.s32 $0x0;
	[tilespmem:s19+$0xB580] =	vst v19;
	v13 =	vadd.s32 v1, v14;
	v15 =	vadd.s32 v3, v14  }
.LBB2_2:
0x4d: {  	p0 =	sne.s32 s17, $0xFF;
	v17 =	vsel vm2, $0x0, v17;
	[tilespmem:s19+$0xB400] =	vst v16;
	s15 =	sadd.s32 $0x80, s15;
	s18 =	sadd.s32 $0x10, s18  }
0x4e: {  	v16 =	vadd.s32 v4, v14;
	[tilespmem:s19+$0xB500] =	vst v17;
	s19 =	smov.u32 s17;
	s17 =	sadd.s32 $0x1, s17  }
0x4f: {  	v17 =	vadd.s32 v5, v14;
	v12 =	vld.idx.msk [tilespmem:v12+s10+$0x0], $0xffff  }
0x50: {  	v19 =	vadd.s32 v6, v14;
	v18 =	vld [tilespmem:s18+$0x0]  }
0x51: {  	v20 =	vadd.s32 v7, v14;
	v15 =	vld.idx.msk [tilespmem:v15+s2+$0x0], $0xffff  }
0x52: {  	v22 =	vadd.s32 v8, v14;
	v21 =	vld.idx.msk [tilespmem:v13+s2+$0x0], $0xffff  }
0x53: {  	s20 =	sand.u32 $0x1F, s16;
	v23 =	vadd.s32 v9, v14;
	s16 =	smov.u32 s19;
	v16 =	vld.idx.msk [tilespmem:v16+s2+$0x0], $0xffff  }
0x54: {  	v24 =	vadd.s32 v10, v14;
	vm2 =	vmmov vm0;
	p1 =	seq.s32 s20, $0x0;
	v14 =	vadd.s32 v11, v14;
	v17 =	vld.idx.msk [tilespmem:v17+s2+$0x0], $0xffff  }
0x55: {  	vm2 =	vmneg @p1 vm2;
	v12 =	vmul.u32 $0xA, v12;
	v19 =	vld.idx.msk [tilespmem:v19+s2+$0x0], $0xffff;
	v13 =	vadd.s32 v13, v18  }
0x56: {  	vm2 =	vmand vm2, vm1;
	v20 =	vld.idx.msk [tilespmem:v20+s2+$0x0], $0xffff  }
0x57: {  	v12 =	vsel vm2, $0x0, v12;
	v22 =	vld.idx.msk [tilespmem:v22+s2+$0x0], $0xffff  }
0x58: {  	v12 =	vadd.s32 v18, v12;
	v25 =	vmax.f32 v21, v15;
	v23 =	vld.idx.msk [tilespmem:v23+s2+$0x0], $0xffff  }
0x59: {  	v26 =	vmul.u32 $0xA, v12;
	v25 =	vmax.f32 v25, v16;
	v24 =	vld.idx.msk [tilespmem:v24+s2+$0x0], $0xffff  }
0x5a: {  	v12 =	vld.idx.msk [tilespmem:v14+s2+$0x0], $0xffff;
	v14 =	vmax.f32 v25, v17  }
0x5b: {  	v25 =	vor.u32 $0x1, v26;
	v27 =	vadd.s32 $0x2, v26;
	v14 =	vmax.f32 v14, v19  }
0x5c: {  	v28 =	vadd.s32 $0x3, v26;
	v29 =	vadd.s32 $0x4, v26;
	v14 =	vmax.f32 v14, v20  }
0x5d: {  	v30 =	vadd.s32 $0x5, v26;
	v31 =	vadd.s32 $0x6, v26;
	v14 =	vmax.f32 v14, v22  }
0x5e: {  	v32 =	vadd.s32 $0x7, v26;
	v33 =	vadd.s32 $0x8, v26;
	v14 =	vmax.f32 v14, v23  }
0x5f: {  	v35 =	vadd.s32 $0x9, v26;
	v34 =	vld.idx.msk [tilespmem:v26+s9+$0x0], $0xffff;
	v14 =	vmax.f32 v14, v24;
	v26 =	vadd.s32 v18, v26  }
0x60: {  	v25 =	vld.idx.msk [tilespmem:v25+s9+$0x0], $0xffff;
	v14 =	vmax.f32 v14, v12  }
0x61: {  	v36 =	vsub.f32 v21, v14;
	v37 =	vsub.f32 v15, v14  }
0x62: {  	v38 =	vsub.f32 v16, v14;
	v39 =	vsub.f32 v17, v14;
	v27 =	vld.idx.msk [tilespmem:v27+s9+$0x0], $0xffff  }
0x63: {  	v40 =	vsub.f32 v19, v14;
	v36 =	vmul.f32 $1.442695020e+00, v36;
	v37 =	vmul.f32 $1.442695020e+00, v37  }
0x64: {  	v41 =	vsub.f32 v20, v14;
	v38 =	vmul.f32 $1.442695020e+00, v38;
	v39 =	vmul.f32 $1.442695020e+00, v39  }
0x65: {  	v21 =	vmul.f32 v34, v21;
	v34 =	vadd.f32 $0.0e+00, v34;
	v28 =	vld.idx.msk [tilespmem:v28+s9+$0x0], $0xffff;
	(erf) = vpow2.f32 v36  }
0x66: {  	v15 =	vmul.f32 v25, v15;
	v36 =	vmul.f32 $1.442695020e+00, v40;
	v40 =	vsub.f32 v22, v14;
	v26 =	vld.idx.msk [tilespmem:v26+s9+$0x0], $0xffff  }
0x67: {  	v21 =	vadd.f32 $0.0e+00, v21;
	v25 =	vadd.f32 v25, v34;
	v29 =	vld.idx.msk [tilespmem:v29+s9+$0x0], $0xffff;
	(erf) = vpow2.f32 v37  }
0x68: {  	v34 =	vmul.f32 $1.442695020e+00, v41;
	v16 =	vmul.f32 v27, v16;
	v37 =	vsub.f32 v23, v14  }
0x69: {  	v15 =	vadd.f32 v15, v21;
	v21 =	vadd.f32 v27, v25;
	v25 =	vld.idx.msk [tilespmem:v30+s9+$0x0], $0xffff;
	(erf) = vpow2.f32 v38  }
0x6a: {  	v27 =	vmul.f32 $1.442695020e+00, v40;
	v30 =	vsub.f32 v24, v14;
	(erf) = vpow2.f32 v39  }
0x6b: {  	v15 =	vadd.f32 v16, v15;
	v16 =	vmul.f32 v28, v17;
	v17 =	vadd.f32 v28, v21;
	v21 =	vld.idx.msk [tilespmem:v31+s9+$0x0], $0xffff  }
0x6c: {  	v28 =	vmul.f32 $1.442695020e+00, v30;
	v30 =	vsub.f32 v12, v14;
	(erf) = vpow2.f32 v36  }
0x6d: {  	v31 =	vmul.f32 $1.442695020e+00, v37;
	v15 =	vadd.f32 v16, v15;
	v16 =	vadd.f32 v29, v17;
	v17 =	vld.idx.msk [tilespmem:v32+s9+$0x0], $0xffff  }
0x6e: {  	vm2 =	veq.s32 v18, $0x0;
	v19 =	vmul.f32 v29, v19;
	v18 =	vpop (erf);
	(erf) = vpow2.f32 v34  }
0x6f: {  	v32 =	vmul.f32 $2.627372740e-04, v26;
	v16 =	vadd.f32 v25, v16;
	v29 =	vld.idx.msk [tilespmem:v33+s9+$0x0], $0xffff;
	v18 =	vadd.f32 $0.0e+00, v18  }
0x70: {  	v15 =	vadd.f32 v19, v15;
	v19 =	vmul.f32 v25, v20;
	v20 =	vpop (erf);
	(erf) = vpow2.f32 v27  }
0x71: {  	s20 =	sand.u32 $0x7C00, s15;
	s19 =	sand.u32 $0x70, s14;
	v22 =	vmul.f32 v21, v22;
	v16 =	vadd.f32 v21, v16;
	v21 =	vld.idx.msk [tilespmem:v35+s9+$0x0], $0xffff;
	v18 =	vadd.f32 v18, v20  }
0x72: {  	s19 =	sor.u32 s19, s20;
	v15 =	vadd.f32 v19, v15;
	v19 =	vsel vm2, $0x3F800000, v2;
	v13 =	vld.idx.msk [tilespmem:v13+s2+$0x0], $0xffff;
	v20 =	vpop (erf);
	(erf) = vpow2.f32 v31  }
0x73: {  	v23 =	vmul.f32 v17, v23;
	v16 =	vadd.f32 v17, v16;
	v20 =	vadd.f32 v18, v20;
	[tilespmem:s19+$0xB480] =	vst v14;
	v14 =	vpop (erf)  }
0x74: {  	v15 =	vadd.f32 v22, v15;
	v18 =	vmul.f32 $1.442695020e+00, v30;
	[tilespmem:s19+$0xB600] =	vst v19;
	(erf) = vpow2.f32 v28  }
0x75: {  	v19 =	vmul.f32 v29, v24;
	v16 =	vadd.f32 v29, v16;
	v14 =	vadd.f32 v20, v14;
	v17 =	vpop (erf)  }
0x76: {  	v15 =	vadd.f32 v23, v15;
	v20 =	vsub.f32 $1.000000000e+00, v32;
	(erf) = vpow2.f32 v18  }
0x77: {  	v12 =	vmul.f32 v21, v12;
	v16 =	vadd.f32 v21, v16;
	v14 =	vadd.f32 v14, v17;
	v17 =	vpop (erf)  }
0x78: {  	v15 =	vadd.f32 v19, v15;
	v18 =	vsel vm2, $0x0, v20  }
0x79: {  	v19 =	vadd.f32 v26, v16;
	v14 =	vadd.f32 v14, v17;
	[tilespmem:s19+$0xB580] =	vst v18;
	v17 =	vpop (erf)  }
0x7a: {  	v12 =	vadd.f32 v12, v15  }
0x7b: {  	v15 =	vmul.f32 $2.627372740e-04, v19;
	v14 =	vadd.f32 v14, v17;
	v16 =	vpop (erf)  }
0x7c: {  	s14 =	sadd.s32 $0x10, s14  }
0x7d: {  	v17 =	vadd.s32 s14, v0;
	v20 =	vadd.f32 $-1.000000000e+00, v15;
	v14 =	vadd.f32 v14, v16;
	v16 =	vpop (erf)  }
.Ltmp0:
0x7e: {  	v18 =	vmov s14;
	v19 =	vmul.f32 $2.627372740e-04, v12;
	vm3 =	vgt.s32 v17, $0x0;
	(pc) =	sbr.rel @p0 .LBB2_2-.Ltmp0, $4  }
0x7f: {  	v12 =	vnsel vm3, $0x0, v17;
	v13 =	vmul.f32 v20, v13;
	v16 =	vadd.f32 v14, v16;
	v15 =	vpop (erf)  }
0x80: {  	v14 =	vmul.u32 $0xA, v18  }
0x81: {  	v17 =	vsub.f32 v13, v19;
	v16 =	vadd.f32 v16, v15  }
0x82: {  	v13 =	vadd.s32 v1, v14;
	v15 =	vadd.s32 v3, v14  }
0x83: {  	_ =	sdelay $0x1  }
0x84: {  	v17 =	vsel vm2, $0x0, v17;
	[tilespmem:s19+$0xB400] =	vst v16  }
0x85: {  	v52 =	vadd.s32 v4, v14;
	[tilespmem:s19+$0xB500] =	vst v17  }
0x86: {  	s17 =	sadd.s32 $0x10, s18;
	v18 =	vadd.s32 v5, v14;
	v17 =	vld.idx.msk [tilespmem:v12+s10+$0x0], $0xffff  }
0x87: {  	v19 =	vadd.s32 v6, v14;
	v12 =	vld [tilespmem:s17+$0x0]  }
0x88: {  	v20 =	vadd.s32 v7, v14;
	v15 =	vld.idx.msk [tilespmem:v15+s2+$0x0], $0xffff  }
0x89: {  	v22 =	vadd.s32 v8, v14;
	v21 =	vld.idx.msk [tilespmem:v13+s2+$0x0], $0xffff  }
0x8a: {  	s16 =	sand.u32 $0x1F, s16;
	v23 =	vadd.s32 v9, v14;
	v16 =	vld.idx.msk [tilespmem:v52+s2+$0x0], $0xffff  }
0x8b: {  	v24 =	vadd.s32 v10, v14;
	vm2 =	vmmov vm0;
	p0 =	seq.s32 s16, $0x0;
	v18 =	vld.idx.msk [tilespmem:v18+s2+$0x0], $0xffff  }
0x8c: {  	v53 =	vadd.s32 v11, v14;
	vm2 =	vmneg @p0 vm2;
	v19 =	vld.idx.msk [tilespmem:v19+s2+$0x0], $0xffff;
	v17 =	vmul.u32 $0xA, v17  }
0x8d: {  	vm2 =	vmand vm2, vm1;
	v20 =	vld.idx.msk [tilespmem:v20+s2+$0x0], $0xffff  }
0x8e: {  	v22 =	vld.idx.msk [tilespmem:v22+s2+$0x0], $0xffff;
	v25 =	vmax.f32 v21, v15;
	v17 =	vsel vm2, $0x0, v17  }
0x8f: {  	v23 =	vld.idx.msk [tilespmem:v23+s2+$0x0], $0xffff;
	v17 =	vadd.s32 v12, v17;
	v25 =	vmax.f32 v25, v16  }
0x90: {  	v24 =	vld.idx.msk [tilespmem:v24+s2+$0x0], $0xffff;
	v17 =	vmul.u32 $0xA, v17;
	v25 =	vmax.f32 v25, v18  }
0x91: {  	v14 =	vld.idx.msk [tilespmem:v53+s2+$0x0], $0xffff;
	v25 =	vmax.f32 v25, v19  }
0x92: {  	v25 =	vmax.f32 v25, v20  }
0x93: {  	v26 =	vor.u32 $0x1, v17;
	v25 =	vmax.f32 v25, v22  }
0x94: {  	v25 =	vmax.f32 v25, v23  }
0x95: {  	v27 =	vadd.s32 $0x2, v17;
	v25 =	vmax.f32 v25, v24  }
0x96: {  	v13 =	vadd.s32 v13, v12;
	v28 =	vld.idx.msk [tilespmem:v17+s9+$0x0], $0xffff;
	v25 =	vmax.f32 v25, v14  }
0x97: {  	v29 =	vadd.s32 $0x3, v17;
	v30 =	vadd.s32 $0x4, v17;
	v31 =	vsub.f32 v21, v25  }
0x98: {  	v32 =	vadd.s32 $0x5, v17;
	v33 =	vadd.s32 $0x6, v17;
	v34 =	vadd.s32 $0x7, v17;
	v26 =	vld.idx.msk [tilespmem:v26+s9+$0x0], $0xffff  }
0x99: {  	v35 =	vadd.s32 $0x8, v17;
	v36 =	vsub.f32 v15, v25;
	v31 =	vmul.f32 $1.442695020e+00, v31  }
0x9a: {  	v37 =	vadd.s32 $0x9, v17;
	v27 =	vld.idx.msk [tilespmem:v27+s9+$0x0], $0xffff;
	v38 =	vsub.f32 v16, v25;
	v39 =	vsub.f32 v18, v25  }
0x9b: {  	v36 =	vmul.f32 $1.442695020e+00, v36;
	v40 =	vadd.f32 $0.0e+00, v28;
	(erf) = vpow2.f32 v31  }
0x9c: {  	v17 =	vadd.s32 v12, v17;
	v54 =	vsub.f32 v19, v25;
	v29 =	vld.idx.msk [tilespmem:v29+s9+$0x0], $0xffff;
	v55 =	vsub.f32 v20, v25  }
0x9d: {  	v38 =	vmul.f32 $1.442695020e+00, v38;
	(erf) = vpow2.f32 v36;
	v40 =	vadd.f32 v26, v40  }
0x9e: {  	v56 =	vld.idx.msk [tilespmem:v30+s9+$0x0], $0xffff;
	v59 =	vsub.f32 v22, v25;
	v61 =	vsub.f32 v23, v25;
	v21 =	vmul.f32 v28, v21  }
0x9f: {  	v39 =	vmul.f32 $1.442695020e+00, v39;
	(erf) = vpow2.f32 v38;
	v58 =	vadd.f32 v27, v40  }
0xa0: {  	v60 =	vld.idx.msk [tilespmem:v32+s9+$0x0], $0xffff;
	v62 =	vsub.f32 v24, v25;
	v15 =	vmul.f32 v26, v15;
	v21 =	vadd.f32 $0.0e+00, v21  }
0xa1: {  	v57 =	vmul.f32 $1.442695020e+00, v54;
	(erf) = vpow2.f32 v39;
	v30 =	vadd.f32 v29, v58  }
0xa2: {  	v33 =	vld.idx.msk [tilespmem:v33+s9+$0x0], $0xffff;
	v45 =	vsub.f32 v14, v25;
	v16 =	vmul.f32 v27, v16;
	v15 =	vadd.f32 v15, v21  }
0xa3: {  	v36 =	vmul.f32 $1.442695020e+00, v55;
	(erf) = vpow2.f32 v57;
	v63 =	vadd.f32 v56, v30  }
0xa4: {  	v31 =	vmul.f32 $1.442695020e+00, v59;
	v38 =	vmul.f32 v29, v18;
	v40 =	vld.idx.msk [tilespmem:v34+s9+$0x0], $0xffff;
	v15 =	vadd.f32 v16, v15;
	v41 =	vpop (erf)  }
0xa5: {  	(erf) = vpow2.f32 v36;
	v28 =	vadd.f32 v60, v63;
	v29 =	vadd.f32 $0.0e+00, v41  }
0xa6: {  	v43 =	vld.idx.msk [tilespmem:v35+s9+$0x0], $0xffff;
	v42 =	vmul.f32 $1.442695020e+00, v61;
	v19 =	vmul.f32 v56, v19;
	v15 =	vadd.f32 v38, v15;
	v44 =	vpop (erf)  }
0xa7: {  	(erf) = vpow2.f32 v31;
	v28 =	vadd.f32 v33, v28;
	v29 =	vadd.f32 v29, v44  }
0xa8: {  	v47 =	vld.idx.msk [tilespmem:v37+s9+$0x0], $0xffff;
	v46 =	vmul.f32 v60, v20;
	v39 =	vmul.f32 $1.442695020e+00, v62;
	v15 =	vadd.f32 v19, v15;
	v48 =	vpop (erf)  }
0xa9: {  	(erf) = vpow2.f32 v42;
	v49 =	vadd.f32 v40, v28;
	v27 =	vadd.f32 v29, v48  }
0xaa: {  	v51 =	vmul.f32 $1.442695020e+00, v45;
	v17 =	vld.idx.msk [tilespmem:v17+s9+$0x0], $0xffff;
	v22 =	vmul.f32 v33, v22;
	v15 =	vadd.f32 v46, v15;
	v50 =	vpop (erf)  }
0xab: {  	(erf) = vpow2.f32 v39;
	v16 =	vadd.f32 v43, v49;
	v52 =	vadd.f32 v27, v50  }
0xac: {  	v53 =	vmul.f32 v40, v23;
	v54 =	vpop (erf);
	v15 =	vadd.f32 v22, v15  }
0xad: {  	(erf) = vpow2.f32 v51;
	v16 =	vadd.f32 v47, v16;
	v18 =	vadd.f32 v52, v54  }
0xae: {  	v55 =	vmul.f32 v43, v24;
	v15 =	vadd.f32 v53, v15;
	v56 =	vpop (erf)  }
0xaf: {  	v18 =	vadd.f32 v18, v56;
	v16 =	vadd.f32 v17, v16  }
0xb0: {  	v13 =	vld.idx.msk [tilespmem:v13+s2+$0x0], $0xffff;
	v14 =	vmul.f32 v47, v14;
	v15 =	vadd.f32 v55, v15;
	v57 =	vpop (erf)  }
0xb1: {  	v18 =	vadd.f32 v18, v57;
	v16 =	vmul.f32 $2.627372740e-04, v16  }
0xb2: {  	v17 =	vmul.f32 $2.627372740e-04, v17;
	v14 =	vadd.f32 v14, v15;
	v58 =	vpop (erf)  }
0xb3: {  	s15 =	sadd.s32 $0x80, s15;
	v15 =	vadd.f32 v18, v58;
	v16 =	vadd.f32 $-1.000000000e+00, v16  }
0xb4: {  	s14 =	sand.u32 $0x70, s14;
	s15 =	sand.u32 $0x7C00, s15;
	vm2 =	veq.s32 v12, $0x0;
	v60 =	vpop (erf);
	v59 =	vsub.f32 $1.000000000e+00, v17  }
0xb5: {  	s15 =	sor.u32 s14, s15;
	v14 =	vmul.f32 $2.627372740e-04, v14;
	v15 =	vadd.f32 v15, v60;
	v13 =	vmul.f32 v16, v13  }
0xb6: {  	v61 =	vsel vm2, $0x3F800000, v2;
	[tilespmem:s15+$0xB480] =	vst v25;
	v62 =	vpop (erf)  }
0xb7: {  	[tilespmem:s15+$0xB600] =	vst v61;
	v12 =	vsel vm2, $0x0, v59;
	v15 =	vadd.f32 v15, v62;
	v13 =	vsub.f32 v13, v14  }
0xb8: {  	[tilespmem:s15+$0xB580] =	vst v12  }
0xb9: {  	s16 =	simm.s32 $0xB800;
	v63 =	vsel vm2, $0x0, v13;
	[tilespmem:s15+$0xB400] =	vst v15  }
0xba: {  	s14 =	simm.s32 $0xB400;
	s17 =	sadd.s32 $0x0, s6;
	[tilespmem:s15+$0xB500] =	vst v63;
	s15 =	simm.s32 $0x80  }
.LBB2_4:
0xbb: {  	[hbm4b:s17+s11] =	stream.strided.scatter [tilespmem:s14], [sflag:$0x1], $0x280, s12, s11, $0x38;
	[tilespmem:$0x13400] =	vst v63  }
0xbc: {  	s17 =	smov.u32 s15;
	s14 =	smov.u32 s16;
	p0 =	sne.s32 s15, $0xF80  }
.Ltmp1:
0xbd: {  	s15 =	sadd.s32 $0x80, s15;
	(pc) =	sbr.rel @p0 .LBB2_4-.Ltmp1, $2  }
0xbe: {  	_ =	sdelay $0x2  }
0xbf: {  	s16 =	sadd.s32 $0x400, s16;
	s17 =	sadd.s32 s17, s6  }
0xc0: {  	s13 =	sadd.s32 $0x1, s13  }
0xc1: {  	p0 =	sne.s32 s13, s7  }
.Ltmp2:
0xc2: {  	_ = 	snop;
	(pc) =	sbr.rel @p0 .LBB2_1-.Ltmp2, $4  }
0xc3: {  	[hbm4b:s17+s11] =	stream.strided.scatter [tilespmem:s14], [sflag:$0x1], $0x280, s12, s11, $0x38;
	[tilespmem:$0x13400] =	vst v63  }
0xc4: {  	_ =	swait.ge [sflag:s8], $0x5000  }
0xc5: {  	[sflag:s8] =	ssyncset.done $0x0  }
0xc6: {  	[sflag:s8] =	ssyncadd.s32 $0xFFFFB000  }
0xc7: {  	_ =	sfence.sel $0x180000  }
0xc8: {  	[bflag:$0x0] =	sbarrier.arrive $0xFFFF  }
0xc9: {  	p0 =	sne.s32 s0, $0x0;
	_ =	strace $0x90000047  }
0xca: {  	s0 =	sadd.s32 @!p0 $0x100000, s1;
	[bflag:$0x2] =	sbarrier.arrive $0xFFFF  }
0xcb: {  	[sflag:s0] =	ssyncadd.tile.s32 @!p0 $0x1;
	_ =	shalt  }
.Lfunc_end2:
_tile_overlayer_lowered:
.L_overlay_start_2:
0xcc: {  	(tag) =	ssettag $0x2  }
0xcd: {  	s0 =	rddreg [dreg:$0x0];
	s2 =	stileid.u32  }
0xce: {  	s1 =	rddreg [dreg:$0x1];
	p0 =	sne.s32 s2, $0x0  }
0xcf: {  	s3 =	rddreg [dreg:$0x2];
	[bflag:$0x3] =	sbarrier.arrive $0xFFFF;
	s2 =	simm.s32 @!p0 $0x1C01  }
0xd0: {  	[timem:s3], [sflag:s2] =	dma.local @!p0 [hbm:s0], s1  }
0xd1: {  	s0 =	simm.s32 @!p0 $0x1  }
0xd2: {  	_ =	swait.ge @!p0 [sflag:s0], s1  }
0xd3: {  	s1 =	ssub.s32 @!p0 $0x0, s1;
	[sflag:s0] =	ssyncset.done @!p0 $0x0  }
0xd4: {  	[sflag:s0] =	ssyncadd.s32 @!p0 s1  }
0xd5: {  	[bflag:$0x3] =	sbarrier.arrive $0xFFFF  }
0xd6: {  	_ =	shalt  }

</sc_bundles>
